<compile_context>
chip_gen: v7x
topology: tpu7x:2x2x1
jax: 0.10.2.dev20260603
libtpu: 0.0.44.dev20260713+nightly
codegen_flags: <defaults>
</compile_context>

<pallas_src>
import functools

import jax
import jax.numpy as jnp
from jax import lax
from jax.experimental import pallas as pl
from jax.experimental.pallas import tpu as pltpu
from jax.experimental.pallas import tpu_sc as plsc

N = 10000
D = 128
NR = 10240
NC = 2
NS = 16
NW = NC * NS
WIN = 128
RPT = NR // NS
BM = 1024
GRID = NR // BM


def _fill_2d(ref, rows, value):
    v = jnp.full((16,), value, jnp.float32)
    cols = ref.shape[1]

    def body(r, _):
        for j in range(cols // 16):
            ref[r, pl.ds(j * 16, 16)] = v
        return 0

    lax.fori_loop(0, rows, body, 0)


def _sc_deg(dst_pad, epw, nwin):

    @functools.partial(
        pl.kernel,
        mesh=plsc.VectorSubcoreMesh(core_axis_name="c", subcore_axis_name="s"),
        out_type=jax.ShapeDtypeStruct((NC * NR,), jnp.float32),
        compiler_params=pltpu.CompilerParams(needs_layout_passes=False),
        scratch_types=[
            pltpu.VMEM((epw,), jnp.int32),
            pltpu.VMEM((NR,), jnp.float32),
            pltpu.VMEM((NS, RPT), jnp.float32),
            pltpu.VMEM_SHARED((NS, NR), jnp.float32),
        ],
    )
    def k(dst_hbm, out_hbm, didx, hist, buf, shared):
        c = lax.axis_index("c")
        s = lax.axis_index("s")
        wid = c * NS + s
        zero = jnp.zeros((16,), jnp.float32)

        def z(i, _):
            hist[pl.ds(i * 16, 16)] = zero
            return 0

        lax.fori_loop(0, NR // 16, z, 0)
        pltpu.sync_copy(dst_hbm.at[pl.ds(wid * epw, epw)], didx)
        ones = jnp.full((16,), 1.0, jnp.float32)

        def grp(g, _):
            kk = didx[pl.ds(g * 16, 16)]
            plsc.addupdate_scatter(hist, [kk], ones)
            return 0

        lax.fori_loop(0, epw // 16, grp, 0)
        pltpu.sync_copy(hist, shared.at[s])
        plsc.subcore_barrier()
        pltpu.sync_copy(shared.at[:, pl.ds(s * RPT, RPT)], buf)

        def colsum(j, _):
            a = buf[0, pl.ds(j * 16, 16)]
            for r in range(1, NS):
                a = a + buf[r, pl.ds(j * 16, 16)]
            hist[pl.ds(j * 16, 16)] = a
            return 0

        lax.fori_loop(0, RPT // 16, colsum, 0)
        pltpu.sync_copy(hist.at[pl.ds(0, RPT)],
                        out_hbm.at[pl.ds(c * NR + s * RPT, RPT)])

    return k(dst_pad)


def _sc_scatter(h_pad, src_pad, dst_pad, epw, nwin):

    @functools.partial(
        pl.kernel,
        mesh=plsc.VectorSubcoreMesh(core_axis_name="c", subcore_axis_name="s"),
        out_type=jax.ShapeDtypeStruct((NC * NR, D), jnp.float32),
        scratch_types=[
            pltpu.VMEM((WIN,), jnp.int32),
            pltpu.VMEM((WIN,), jnp.int32),
            pltpu.VMEM((WIN,), jnp.int32),
            pltpu.VMEM((WIN,), jnp.int32),
            pltpu.VMEM((WIN,), jnp.int32),
            pltpu.VMEM((WIN,), jnp.int32),
            pltpu.VMEM((WIN, D), jnp.float32),
            pltpu.VMEM_SHARED((NR, D), jnp.float32),
            pltpu.SemaphoreType.DMA,
            pltpu.SemaphoreType.DMA,
            pltpu.SemaphoreType.DMA,
            pltpu.SemaphoreType.DMA,
        ],
    )
    def k(h_hbm, src_hbm, dst_hbm, out_hbm, sidx0, didx0, sidx1, didx1,
          sidx2, didx2, rows, acc, gsem, isem0, isem1, isem2):
        c = lax.axis_index("c")
        s = lax.axis_index("s")
        wid = c * NS + s
        _fill_2d(rows, WIN, 0.0)
        for j in range(RPT // WIN):
            pltpu.sync_copy(rows, acc.at[pl.ds(s * RPT + j * WIN, WIN)])
        plsc.subcore_barrier()

        last = nwin - 1
        ebase = wid * epw

        def idx_start(w, sb, db, sem):
            off = ebase + jnp.minimum(w, last) * WIN
            pltpu.async_copy(src_hbm.at[pl.ds(off, WIN)], sb, sem)
            pltpu.async_copy(dst_hbm.at[pl.ds(off, WIN)], db, sem)

        def idx_wait(sb, db, sem):
            pltpu.make_async_copy(src_hbm.at[pl.ds(0, WIN)], sb, sem).wait()
            pltpu.make_async_copy(dst_hbm.at[pl.ds(0, WIN)], db, sem).wait()

        idx_start(0, sidx0, didx0, isem0)
        idx_wait(sidx0, didx0, isem0)
        idx_start(1, sidx1, didx1, isem1)
        idx_wait(sidx1, didx1, isem1)

        def one(w, sa, da, sema, sb, db, semb):
            pltpu.async_copy(h_hbm.at[sa], rows, gsem).wait()
            idx_start(w + 2, sb, db, semb)
            pltpu.sync_copy(rows, acc.at[da], add=True)
            idx_wait(sb, db, semb)

        def win(i, _):
            w = i * 3
            one(w, sidx0, didx0, isem0, sidx2, didx2, isem2)
            one(w + 1, sidx1, didx1, isem1, sidx0, didx0, isem0)
            one(w + 2, sidx2, didx2, isem2, sidx1, didx1, isem1)
            return 0

        nfull = nwin // 3
        lax.fori_loop(0, nfull, win, 0)
        ring = [(sidx0, didx0, isem0), (sidx1, didx1, isem1),
                (sidx2, didx2, isem2)]
        for t in range(nwin - nfull * 3):
            sa, da, _ = ring[t % 3]
            pltpu.async_copy(h_hbm.at[sa], rows, gsem).wait()
            pltpu.sync_copy(rows, acc.at[da], add=True)
        plsc.subcore_barrier()
        pltpu.sync_copy(acc.at[pl.ds(s * RPT, RPT)],
                        out_hbm.at[pl.ds(c * NR + s * RPT, RPT)])

    return k(h_pad, src_pad, dst_pad)


def _tc_dis(d0, d1):

    def kfn(d0_ref, d1_ref, oref):
        deg = d0_ref[...] + d1_ref[...] + 1.0
        oref[...] = jnp.broadcast_to(lax.rsqrt(deg), (BM, D))

    return pl.pallas_call(
        kfn,
        grid=(GRID,),
        in_specs=[
            pl.BlockSpec((BM, 1), lambda i: (i, 0)),
            pl.BlockSpec((BM, 1), lambda i: (i, 0)),
        ],
        out_specs=pl.BlockSpec((BM, D), lambda i: (i, 0)),
        out_shape=jax.ShapeDtypeStruct((NR, D), jnp.float32),
    )(d0, d1)


def _tc_layer1(x, W0, b0, Wc1, dis_b):
    def kfn(x_ref, w0_ref, b0_ref, wc1_ref, dis_ref, o_ref):
        i = pl.program_id(0)
        h0 = jnp.dot(x_ref[...], w0_ref[...], preferred_element_type=jnp.float32)
        h0 = jnp.maximum(h0 + b0_ref[...], 0.0)
        u = jnp.dot(h0, wc1_ref[...], preferred_element_type=jnp.float32)
        row = lax.broadcasted_iota(jnp.int32, (BM, D), 0) + i * BM
        o_ref[...] = jnp.where(row < N, dis_ref[...] * u, 0.0)

    return pl.pallas_call(
        kfn,
        grid=(GRID,),
        in_specs=[
            pl.BlockSpec((BM, D), lambda i: (i, 0)),
            pl.BlockSpec((D, D), lambda i: (0, 0)),
            pl.BlockSpec((1, D), lambda i: (0, 0)),
            pl.BlockSpec((D, D), lambda i: (0, 0)),
            pl.BlockSpec((BM, D), lambda i: (i, 0)),
        ],
        out_specs=pl.BlockSpec((BM, D), lambda i: (i, 0)),
        out_shape=jax.ShapeDtypeStruct((NR, D), jnp.float32),
    )(x, W0, b0.reshape(1, D), Wc1, dis_b)


def _tc_layer2(aggp, h1p, dis_b, bc1, Wc2):
    def kfn(p0_ref, p1_ref, h1_ref, dis_ref, b1_ref, wc2_ref, o_ref):
        i = pl.program_id(0)
        t = dis_ref[...] * (p0_ref[...] + p1_ref[...] + h1_ref[...]) + b1_ref[...]
        out1 = jnp.maximum(t, 0.0)
        u = jnp.dot(out1, wc2_ref[...], preferred_element_type=jnp.float32)
        row = lax.broadcasted_iota(jnp.int32, (BM, D), 0) + i * BM
        o_ref[...] = jnp.where(row < N, dis_ref[...] * u, 0.0)

    return pl.pallas_call(
        kfn,
        grid=(GRID,),
        in_specs=[
            pl.BlockSpec((BM, D), lambda i: (i, 0)),
            pl.BlockSpec((BM, D), lambda i: (i + GRID, 0)),
            pl.BlockSpec((BM, D), lambda i: (i, 0)),
            pl.BlockSpec((BM, D), lambda i: (i, 0)),
            pl.BlockSpec((1, D), lambda i: (0, 0)),
            pl.BlockSpec((D, D), lambda i: (0, 0)),
        ],
        out_specs=pl.BlockSpec((BM, D), lambda i: (i, 0)),
        out_shape=jax.ShapeDtypeStruct((NR, D), jnp.float32),
    )(aggp, aggp, h1p, dis_b, bc1.reshape(1, D), Wc2)


def _tc_out(aggp, h2p, dis_b, bc2):
    def kfn(q0_ref, q1_ref, h2_ref, dis_ref, b2_ref, o_ref):
        t = dis_ref[...] * (q0_ref[...] + q1_ref[...] + h2_ref[...]) + b2_ref[...]
        o_ref[...] = jnp.maximum(t, 0.0)

    return pl.pallas_call(
        kfn,
        grid=(GRID,),
        in_specs=[
            pl.BlockSpec((BM, D), lambda i: (i, 0)),
            pl.BlockSpec((BM, D), lambda i: (i + GRID, 0)),
            pl.BlockSpec((BM, D), lambda i: (i, 0)),
            pl.BlockSpec((BM, D), lambda i: (i, 0)),
            pl.BlockSpec((1, D), lambda i: (0, 0)),
        ],
        out_specs=pl.BlockSpec((BM, D), lambda i: (i, 0)),
        out_shape=jax.ShapeDtypeStruct((N, D), jnp.float32),
    )(aggp, aggp, h2p, dis_b, bc2.reshape(1, D))


def kernel(input, edge_index, W0, b0, Wc1, bc1, Wc2, bc2):
    x = input
    e = edge_index.shape[1]
    ei = edge_index.astype(jnp.int32)
    epw = -(-e // (NW * WIN)) * WIN
    npad = NW * epw - e
    nwin = epw // WIN
    pad_idx = N + (jnp.arange(npad, dtype=jnp.int32) % (NR - N))
    src_pad = jnp.concatenate([ei[0], pad_idx])
    dst_pad = jnp.concatenate([ei[1], pad_idx])
    src2d = src_pad.reshape(NW, nwin, WIN)
    dst2d = dst_pad.reshape(NW, nwin, WIN)

    degp = _sc_deg(dst_pad, epw, nwin)
    dis_b = _tc_dis(degp[:NR].reshape(NR, 1), degp[NR:].reshape(NR, 1))
    h1p = _tc_layer1(x, W0, b0, Wc1, dis_b)
    agg1 = _sc_scatter(h1p, src_pad, dst_pad, epw, nwin)
    h2p = _tc_layer2(agg1, h1p, dis_b, bc1, Wc2)
    agg2 = _sc_scatter(h2p, src_pad, dst_pad, epw, nwin)
    return _tc_out(agg2, h2p, dis_b, bc2)

# --- scband reference (transcript-rebuilt; emitter-appended) ---
"""Pipeline reference for scband-graphlayer-63513976373392 (READ-ONLY COPY).

The authoritative reference and input builder live on the scoring server;
editing this copy changes nothing except your own understanding.
"""

import jax, jax.numpy as jnp
import numpy as np

N_NODES = 10000
N_EDGES = 320000
D = 128


def setup_inputs(seed: int = 0) -> dict:
    key = jax.random.key(seed)
    ks = jax.random.split(key, 10)
    x = jax.random.normal(ks[0], (N_NODES, D), dtype=jnp.float32)
    edge_index = jax.random.randint(ks[1], (2, N_EDGES), 0, N_NODES, dtype=jnp.int64)
    # glorot-ish init for learned params
    s0 = (6.0 / (D + D)) ** 0.5
    W0 = jax.random.uniform(ks[2], (D, D), jnp.float32, -s0, s0)
    b0 = jnp.zeros((D,), jnp.float32)
    Wc1 = jax.random.uniform(ks[3], (D, D), jnp.float32, -s0, s0)
    bc1 = jnp.zeros((D,), jnp.float32)
    Wc2 = jax.random.uniform(ks[4], (D, D), jnp.float32, -s0, s0)
    bc2 = jnp.zeros((D,), jnp.float32)
    return {"input": x, "edge_index": edge_index, "W0": W0, "b0": b0,
            "Wc1": Wc1, "bc1": bc1, "Wc2": Wc2, "bc2": bc2}


def _gcn_conv(x, src, dst, W, b, n_nodes):
    h = jnp.matmul(x, W)
    # add self loops
    loop = jnp.arange(n_nodes, dtype=src.dtype)
    src_f = jnp.concatenate([src, loop])
    dst_f = jnp.concatenate([dst, loop])
    # symmetric normalization D^{-1/2} A_hat D^{-1/2}
    deg = jnp.zeros((n_nodes,), jnp.float32).at[dst_f].add(1.0)
    dis = jnp.where(deg > 0, jax.lax.rsqrt(jnp.maximum(deg, 1e-12)), 0.0)
    norm = dis[src_f] * dis[dst_f]
    msg = h[src_f] * norm[:, None]
    out = jnp.zeros((n_nodes, h.shape[1]), jnp.float32).at[dst_f].add(msg)
    return out + b


def reference(input, edge_index, W0, b0, Wc1, bc1, Wc2, bc2):
    n_nodes = input.shape[0]
    src = edge_index[0]
    dst = edge_index[1]
    # dropout p=0 -> identity (eval semantics)
    x = jax.nn.relu(jnp.matmul(input, W0) + b0)
    x = jax.nn.relu(_gcn_conv(x, src, dst, Wc1, bc1, n_nodes))
    x = jax.nn.relu(_gcn_conv(x, src, dst, Wc2, bc2, n_nodes))
    return x

if __name__ == "__main__":
    import jax
    _d = setup_inputs()
    print(jax.jit(kernel)(*tuple(_d.values())))

</pallas_src>

<mosaic_0001>
#map = affine_map<(d0, d1) -> (0)>
module attributes {stable_mosaic.version = 14 : i64} {
  func.func @k(%arg0: i32, %arg1: i32, %arg2: memref<323584xi32, #tpu.memory_space<hbm>>, %arg3: memref<20480xf32, #tpu.memory_space<hbm>>, %arg4: memref<10112xi32, #tpu.memory_space<vmem>>, %arg5: memref<10240xf32, #tpu.memory_space<vmem>>, %arg6: memref<16x640xf32, #tpu.memory_space<vmem>>, %arg7: memref<16x10240xf32, #tpu.memory_space<vmem_shared>>) attributes {dimension_semantics = [#tpu.dimension_semantics<core_parallel>, #tpu.dimension_semantics<subcore_parallel>], iteration_bounds = array<i64: 2, 16>, scalar_prefetch = 0 : i64, scratch_operands = 4 : i64, tpu.core_type = #tpu.core_type<sc_vector_subcore>, window_params = [{transform_indices = #map}, {transform_indices = #map}]} {
    %mul3A = arith.constant 16 : i32
    %mul3A_0 = arith.muli %arg0, %mul3A : i32
    %add3A = arith.addi %mul3A_0, %arg1 : i32
    %broadcast_in_dim3A = arith.constant 0.000000e+00 : f32
    %broadcast_in_dim3A_1 = vector.broadcast %broadcast_in_dim3A : f32 to vector<16xf32>
    %scan3A = arith.constant 0 : i32
    %scan3A_2 = arith.constant 0 : i32
    %scan3A_3 = arith.constant 640 : i32
    %scan3A_4 = arith.addi %scan3A_2, %scan3A_3 : i32
    %scan3A_5 = arith.constant 1 : i32
    %scan3A_6 = scf.for %scan3A_33 = %scan3A_2 to %scan3A_4 step %scan3A_5 iter_args(%scan3A_34 = %scan3A) -> (i32)  : i32 {
      %mul3A_35 = arith.constant 16 : i32
      %mul3A_36 = arith.muli %scan3A_33, %mul3A_35 : i32
      %swap3A = arith.index_cast %mul3A_36 : i32 to index
      %swap3A_37 = tpu.vector_load %arg5[%swap3A] {strides = array<i32>} : memref<10240xf32, #tpu.memory_space<vmem>>, vector<16xf32>,
      tpu.vector_store %arg5[%swap3A], %broadcast_in_dim3A_1 {strides = array<i32>} : memref<10240xf32, #tpu.memory_space<vmem>>, vector<16xf32>,
      %scan3A_38 = arith.constant 0 : i32
      scf.yield %scan3A_38 : i32
    }
    %scan3A_7 = arith.constant 640 : i32
    %mul3A_8 = arith.constant 10112 : i32
    %mul3A_9 = arith.muli %add3A, %mul3A_8 : i32
    "tpu.region"() ({
      %run_scoped3A = tpu.sem_alloc : memref<!tpu.dma_semaphore, #tpu.memory_space<semaphore_mem>>
      %dma_start3A = tpu.memref_slice %arg2[%mul3A_9] : memref<323584xi32, #tpu.memory_space<hbm>> -> memref<10112xi32, #tpu.memory_space<hbm>>
      %dma_start3A_33 = tpu.memref_slice %arg2[%mul3A_9] : memref<323584xi32, #tpu.memory_space<hbm>> -> memref<10112xi32, #tpu.memory_space<hbm>>
      tpu.enqueue_dma source(%dma_start3A_33 : memref<10112xi32, #tpu.memory_space<hbm>>) target(%arg4 : memref<10112xi32, #tpu.memory_space<vmem>>) target_semaphore(%run_scoped3A : memref<!tpu.dma_semaphore, #tpu.memory_space<semaphore_mem>>)
      %dma_wait3A = tpu.memref_slice %arg2[%mul3A_9] : memref<323584xi32, #tpu.memory_space<hbm>> -> memref<10112xi32, #tpu.memory_space<hbm>>
      %dma_wait3A_34 = tpu.memref_slice %arg2[%mul3A_9] : memref<323584xi32, #tpu.memory_space<hbm>> -> memref<10112xi32, #tpu.memory_space<hbm>>
      tpu.wait_dma2 semaphore(%run_scoped3A : memref<!tpu.dma_semaphore, #tpu.memory_space<semaphore_mem>>) src(%dma_wait3A_34 : memref<10112xi32, #tpu.memory_space<hbm>>) dst(%arg4 : memref<10112xi32, #tpu.memory_space<vmem>>)
      tpu.yield
    }) : () -> ()
    %broadcast_in_dim3A_10 = arith.constant 1.000000e+00 : f32
    %broadcast_in_dim3A_11 = vector.broadcast %broadcast_in_dim3A_10 : f32 to vector<16xf32>
    %scan3A_12 = arith.constant 0 : i32
    %scan3A_13 = arith.constant 0 : i32
    %scan3A_14 = arith.constant 632 : i32
    %scan3A_15 = arith.addi %scan3A_13, %scan3A_14 : i32
    %scan3A_16 = arith.constant 1 : i32
    %scan3A_17 = scf.for %scan3A_33 = %scan3A_13 to %scan3A_15 step %scan3A_16 iter_args(%scan3A_34 = %scan3A_12) -> (i32)  : i32 {
      %mul3A_35 = arith.constant 16 : i32
      %mul3A_36 = arith.muli %scan3A_33, %mul3A_35 : i32
      %get3A = arith.index_cast %mul3A_36 : i32 to index
      %get3A_37 = tpu.vector_load %arg4[%get3A] {strides = array<i32>} : memref<10112xi32, #tpu.memory_space<vmem>>, vector<16xi32>,
      tpu.vector_store_idx %arg5[%get3A_37], %broadcast_in_dim3A_11 {add = true} : memref<10240xf32, #tpu.memory_space<vmem>>[vector<16xi32>], vector<16xf32>,
      %scan3A_38 = arith.constant 0 : i32
      scf.yield %scan3A_38 : i32
    }
    %scan3A_18 = arith.constant 632 : i32
    "tpu.region"() ({
      %run_scoped3A = tpu.sem_alloc : memref<!tpu.dma_semaphore, #tpu.memory_space<semaphore_mem>>
      %dma_start3A = arith.constant 0 : i32
      %dma_start3A_33 = tpu.memref_slice %arg7[%arg1, %dma_start3A] : memref<16x10240xf32, #tpu.memory_space<vmem_shared>> -> memref<1x10240xf32, #tpu.memory_space<vmem_shared>>
      %dma_start3A_34 = tpu.memref_squeeze %dma_start3A_33 : memref<1x10240xf32, #tpu.memory_space<vmem_shared>> -> memref<10240xf32, #tpu.memory_space<vmem_shared>>
      %dma_start3A_35 = arith.constant 0 : i32
      %dma_start3A_36 = tpu.memref_slice %arg7[%arg1, %dma_start3A_35] : memref<16x10240xf32, #tpu.memory_space<vmem_shared>> -> memref<1x10240xf32, #tpu.memory_space<vmem_shared>>
      %dma_start3A_37 = tpu.memref_squeeze %dma_start3A_36 : memref<1x10240xf32, #tpu.memory_space<vmem_shared>> -> memref<10240xf32, #tpu.memory_space<vmem_shared>>
      tpu.enqueue_dma source(%arg5 : memref<10240xf32, #tpu.memory_space<vmem>>) target(%dma_start3A_37 : memref<10240xf32, #tpu.memory_space<vmem_shared>>) target_semaphore(%run_scoped3A : memref<!tpu.dma_semaphore, #tpu.memory_space<semaphore_mem>>)
      %dma_wait3A = arith.constant 0 : i32
      %dma_wait3A_38 = tpu.memref_slice %arg7[%arg1, %dma_wait3A] : memref<16x10240xf32, #tpu.memory_space<vmem_shared>> -> memref<1x10240xf32, #tpu.memory_space<vmem_shared>>
      %dma_wait3A_39 = tpu.memref_squeeze %dma_wait3A_38 : memref<1x10240xf32, #tpu.memory_space<vmem_shared>> -> memref<10240xf32, #tpu.memory_space<vmem_shared>>
      %dma_wait3A_40 = arith.constant 0 : i32
      %dma_wait3A_41 = tpu.memref_slice %arg7[%arg1, %dma_wait3A_40] : memref<16x10240xf32, #tpu.memory_space<vmem_shared>> -> memref<1x10240xf32, #tpu.memory_space<vmem_shared>>
      %dma_wait3A_42 = tpu.memref_squeeze %dma_wait3A_41 : memref<1x10240xf32, #tpu.memory_space<vmem_shared>> -> memref<10240xf32, #tpu.memory_space<vmem_shared>>
      tpu.wait_dma2 semaphore(%run_scoped3A : memref<!tpu.dma_semaphore, #tpu.memory_space<semaphore_mem>>) src(%arg5 : memref<10240xf32, #tpu.memory_space<vmem>>) dst(%dma_wait3A_42 : memref<10240xf32, #tpu.memory_space<vmem_shared>>)
      tpu.yield
    }) : () -> ()
    %barrier3A = arith.constant 0 : index
    tpu.barrier barrier_id(%barrier3A)
    %mul3A_19 = arith.constant 640 : i32
    %mul3A_20 = arith.muli %arg1, %mul3A_19 : i32
    "tpu.region"() ({
      %run_scoped3A = tpu.sem_alloc : memref<!tpu.dma_semaphore, #tpu.memory_space<semaphore_mem>>
      %dma_start3A = arith.constant 0 : i32
      %dma_start3A_33 = tpu.memref_slice %arg7[%dma_start3A, %mul3A_20] : memref<16x10240xf32, #tpu.memory_space<vmem_shared>> -> memref<16x640xf32, #tpu.memory_space<vmem_shared>>
      %dma_start3A_34 = arith.constant 0 : i32
      %dma_start3A_35 = tpu.memref_slice %arg7[%dma_start3A_34, %mul3A_20] : memref<16x10240xf32, #tpu.memory_space<vmem_shared>> -> memref<16x640xf32, #tpu.memory_space<vmem_shared>>
      tpu.enqueue_dma source(%dma_start3A_35 : memref<16x640xf32, #tpu.memory_space<vmem_shared>>) target(%arg6 : memref<16x640xf32, #tpu.memory_space<vmem>>) target_semaphore(%run_scoped3A : memref<!tpu.dma_semaphore, #tpu.memory_space<semaphore_mem>>)
      %dma_wait3A = arith.constant 0 : i32
      %dma_wait3A_36 = tpu.memref_slice %arg7[%dma_wait3A, %mul3A_20] : memref<16x10240xf32, #tpu.memory_space<vmem_shared>> -> memref<16x640xf32, #tpu.memory_space<vmem_shared>>
      %dma_wait3A_37 = arith.constant 0 : i32
      %dma_wait3A_38 = tpu.memref_slice %arg7[%dma_wait3A_37, %mul3A_20] : memref<16x10240xf32, #tpu.memory_space<vmem_shared>> -> memref<16x640xf32, #tpu.memory_space<vmem_shared>>
      tpu.wait_dma2 semaphore(%run_scoped3A : memref<!tpu.dma_semaphore, #tpu.memory_space<semaphore_mem>>) src(%dma_wait3A_38 : memref<16x640xf32, #tpu.memory_space<vmem_shared>>) dst(%arg6 : memref<16x640xf32, #tpu.memory_space<vmem>>)
      tpu.yield
    }) : () -> ()
    %scan3A_21 = arith.constant 0 : i32
    %scan3A_22 = arith.constant 0 : i32
    %scan3A_23 = arith.constant 40 : i32
    %scan3A_24 = arith.addi %scan3A_22, %scan3A_23 : i32
    %scan3A_25 = arith.constant 1 : i32
    %scan3A_26 = scf.for %scan3A_33 = %scan3A_22 to %scan3A_24 step %scan3A_25 iter_args(%scan3A_34 = %scan3A_21) -> (i32)  : i32 {
      %mul3A_35 = arith.constant 16 : i32
      %mul3A_36 = arith.muli %scan3A_33, %mul3A_35 : i32
      %get3A = arith.constant 0 : i32
      %get3A_37 = arith.index_cast %get3A : i32 to index
      %get3A_38 = arith.index_cast %mul3A_36 : i32 to index
      %get3A_39 = tpu.vector_load %arg6[%get3A_37, %get3A_38] {strides = array<i32>} : memref<16x640xf32, #tpu.memory_space<vmem>>, vector<16xf32>,
      %mul3A_40 = arith.constant 16 : i32
      %mul3A_41 = arith.muli %scan3A_33, %mul3A_40 : i32
      %get3A_42 = arith.constant 1 : i32
      %get3A_43 = arith.index_cast %get3A_42 : i32 to index
      %get3A_44 = arith.index_cast %mul3A_41 : i32 to index
      %get3A_45 = tpu.vector_load %arg6[%get3A_43, %get3A_44] {strides = array<i32>} : memref<16x640xf32, #tpu.memory_space<vmem>>, vector<16xf32>,
      %add3A_46 = arith.addf %get3A_39, %get3A_45 : vector<16xf32>
      %mul3A_47 = arith.constant 16 : i32
      %mul3A_48 = arith.muli %scan3A_33, %mul3A_47 : i32
      %get3A_49 = arith.constant 2 : i32
      %get3A_50 = arith.index_cast %get3A_49 : i32 to index
      %get3A_51 = arith.index_cast %mul3A_48 : i32 to index
      %get3A_52 = tpu.vector_load %arg6[%get3A_50, %get3A_51] {strides = array<i32>} : memref<16x640xf32, #tpu.memory_space<vmem>>, vector<16xf32>,
      %add3A_53 = arith.addf %add3A_46, %get3A_52 : vector<16xf32>
      %mul3A_54 = arith.constant 16 : i32
      %mul3A_55 = arith.muli %scan3A_33, %mul3A_54 : i32
      %get3A_56 = arith.constant 3 : i32
      %get3A_57 = arith.index_cast %get3A_56 : i32 to index
      %get3A_58 = arith.index_cast %mul3A_55 : i32 to index
      %get3A_59 = tpu.vector_load %arg6[%get3A_57, %get3A_58] {strides = array<i32>} : memref<16x640xf32, #tpu.memory_space<vmem>>, vector<16xf32>,
      %add3A_60 = arith.addf %add3A_53, %get3A_59 : vector<16xf32>
      %mul3A_61 = arith.constant 16 : i32
      %mul3A_62 = arith.muli %scan3A_33, %mul3A_61 : i32
      %get3A_63 = arith.constant 4 : i32
      %get3A_64 = arith.index_cast %get3A_63 : i32 to index
      %get3A_65 = arith.index_cast %mul3A_62 : i32 to index
      %get3A_66 = tpu.vector_load %arg6[%get3A_64, %get3A_65] {strides = array<i32>} : memref<16x640xf32, #tpu.memory_space<vmem>>, vector<16xf32>,
      %add3A_67 = arith.addf %add3A_60, %get3A_66 : vector<16xf32>
      %mul3A_68 = arith.constant 16 : i32
      %mul3A_69 = arith.muli %scan3A_33, %mul3A_68 : i32
      %get3A_70 = arith.constant 5 : i32
      %get3A_71 = arith.index_cast %get3A_70 : i32 to index
      %get3A_72 = arith.index_cast %mul3A_69 : i32 to index
      %get3A_73 = tpu.vector_load %arg6[%get3A_71, %get3A_72] {strides = array<i32>} : memref<16x640xf32, #tpu.memory_space<vmem>>, vector<16xf32>,
      %add3A_74 = arith.addf %add3A_67, %get3A_73 : vector<16xf32>
      %mul3A_75 = arith.constant 16 : i32
      %mul3A_76 = arith.muli %scan3A_33, %mul3A_75 : i32
      %get3A_77 = arith.constant 6 : i32
      %get3A_78 = arith.index_cast %get3A_77 : i32 to index
      %get3A_79 = arith.index_cast %mul3A_76 : i32 to index
      %get3A_80 = tpu.vector_load %arg6[%get3A_78, %get3A_79] {strides = array<i32>} : memref<16x640xf32, #tpu.memory_space<vmem>>, vector<16xf32>,
      %add3A_81 = arith.addf %add3A_74, %get3A_80 : vector<16xf32>
      %mul3A_82 = arith.constant 16 : i32
      %mul3A_83 = arith.muli %scan3A_33, %mul3A_82 : i32
      %get3A_84 = arith.constant 7 : i32
      %get3A_85 = arith.index_cast %get3A_84 : i32 to index
      %get3A_86 = arith.index_cast %mul3A_83 : i32 to index
      %get3A_87 = tpu.vector_load %arg6[%get3A_85, %get3A_86] {strides = array<i32>} : memref<16x640xf32, #tpu.memory_space<vmem>>, vector<16xf32>,
      %add3A_88 = arith.addf %add3A_81, %get3A_87 : vector<16xf32>
      %mul3A_89 = arith.constant 16 : i32
      %mul3A_90 = arith.muli %scan3A_33, %mul3A_89 : i32
      %get3A_91 = arith.constant 8 : i32
      %get3A_92 = arith.index_cast %get3A_91 : i32 to index
      %get3A_93 = arith.index_cast %mul3A_90 : i32 to index
      %get3A_94 = tpu.vector_load %arg6[%get3A_92, %get3A_93] {strides = array<i32>} : memref<16x640xf32, #tpu.memory_space<vmem>>, vector<16xf32>,
      %add3A_95 = arith.addf %add3A_88, %get3A_94 : vector<16xf32>
      %mul3A_96 = arith.constant 16 : i32
      %mul3A_97 = arith.muli %scan3A_33, %mul3A_96 : i32
      %get3A_98 = arith.constant 9 : i32
      %get3A_99 = arith.index_cast %get3A_98 : i32 to index
      %get3A_100 = arith.index_cast %mul3A_97 : i32 to index
      %get3A_101 = tpu.vector_load %arg6[%get3A_99, %get3A_100] {strides = array<i32>} : memref<16x640xf32, #tpu.memory_space<vmem>>, vector<16xf32>,
      %add3A_102 = arith.addf %add3A_95, %get3A_101 : vector<16xf32>
      %mul3A_103 = arith.constant 16 : i32
      %mul3A_104 = arith.muli %scan3A_33, %mul3A_103 : i32
      %get3A_105 = arith.constant 10 : i32
      %get3A_106 = arith.index_cast %get3A_105 : i32 to index
      %get3A_107 = arith.index_cast %mul3A_104 : i32 to index
      %get3A_108 = tpu.vector_load %arg6[%get3A_106, %get3A_107] {strides = array<i32>} : memref<16x640xf32, #tpu.memory_space<vmem>>, vector<16xf32>,
      %add3A_109 = arith.addf %add3A_102, %get3A_108 : vector<16xf32>
      %mul3A_110 = arith.constant 16 : i32
      %mul3A_111 = arith.muli %scan3A_33, %mul3A_110 : i32
      %get3A_112 = arith.constant 11 : i32
      %get3A_113 = arith.index_cast %get3A_112 : i32 to index
      %get3A_114 = arith.index_cast %mul3A_111 : i32 to index
      %get3A_115 = tpu.vector_load %arg6[%get3A_113, %get3A_114] {strides = array<i32>} : memref<16x640xf32, #tpu.memory_space<vmem>>, vector<16xf32>,
      %add3A_116 = arith.addf %add3A_109, %get3A_115 : vector<16xf32>
      %mul3A_117 = arith.constant 16 : i32
      %mul3A_118 = arith.muli %scan3A_33, %mul3A_117 : i32
      %get3A_119 = arith.constant 12 : i32
      %get3A_120 = arith.index_cast %get3A_119 : i32 to index
      %get3A_121 = arith.index_cast %mul3A_118 : i32 to index
      %get3A_122 = tpu.vector_load %arg6[%get3A_120, %get3A_121] {strides = array<i32>} : memref<16x640xf32, #tpu.memory_space<vmem>>, vector<16xf32>,
      %add3A_123 = arith.addf %add3A_116, %get3A_122 : vector<16xf32>
      %mul3A_124 = arith.constant 16 : i32
      %mul3A_125 = arith.muli %scan3A_33, %mul3A_124 : i32
      %get3A_126 = arith.constant 13 : i32
      %get3A_127 = arith.index_cast %get3A_126 : i32 to index
      %get3A_128 = arith.index_cast %mul3A_125 : i32 to index
      %get3A_129 = tpu.vector_load %arg6[%get3A_127, %get3A_128] {strides = array<i32>} : memref<16x640xf32, #tpu.memory_space<vmem>>, vector<16xf32>,
      %add3A_130 = arith.addf %add3A_123, %get3A_129 : vector<16xf32>
      %mul3A_131 = arith.constant 16 : i32
      %mul3A_132 = arith.muli %scan3A_33, %mul3A_131 : i32
      %get3A_133 = arith.constant 14 : i32
      %get3A_134 = arith.index_cast %get3A_133 : i32 to index
      %get3A_135 = arith.index_cast %mul3A_132 : i32 to index
      %get3A_136 = tpu.vector_load %arg6[%get3A_134, %get3A_135] {strides = array<i32>} : memref<16x640xf32, #tpu.memory_space<vmem>>, vector<16xf32>,
      %add3A_137 = arith.addf %add3A_130, %get3A_136 : vector<16xf32>
      %mul3A_138 = arith.constant 16 : i32
      %mul3A_139 = arith.muli %scan3A_33, %mul3A_138 : i32
      %get3A_140 = arith.constant 15 : i32
      %get3A_141 = arith.index_cast %get3A_140 : i32 to index
      %get3A_142 = arith.index_cast %mul3A_139 : i32 to index
      %get3A_143 = tpu.vector_load %arg6[%get3A_141, %get3A_142] {strides = array<i32>} : memref<16x640xf32, #tpu.memory_space<vmem>>, vector<16xf32>,
      %add3A_144 = arith.addf %add3A_137, %get3A_143 : vector<16xf32>
      %mul3A_145 = arith.constant 16 : i32
      %mul3A_146 = arith.muli %scan3A_33, %mul3A_145 : i32
      %swap3A = arith.index_cast %mul3A_146 : i32 to index
      %swap3A_147 = tpu.vector_load %arg5[%swap3A] {strides = array<i32>} : memref<10240xf32, #tpu.memory_space<vmem>>, vector<16xf32>,
      tpu.vector_store %arg5[%swap3A], %add3A_144 {strides = array<i32>} : memref<10240xf32, #tpu.memory_space<vmem>>, vector<16xf32>,
      %scan3A_148 = arith.constant 0 : i32
      scf.yield %scan3A_148 : i32
    }
    %scan3A_27 = arith.constant 40 : i32
    %mul3A_28 = arith.constant 10240 : i32
    %mul3A_29 = arith.muli %arg0, %mul3A_28 : i32
    %mul3A_30 = arith.constant 640 : i32
    %mul3A_31 = arith.muli %arg1, %mul3A_30 : i32
    %add3A_32 = arith.addi %mul3A_29, %mul3A_31 : i32
    "tpu.region"() ({
      %run_scoped3A = tpu.sem_alloc : memref<!tpu.dma_semaphore, #tpu.memory_space<semaphore_mem>>
      %dma_start3A = arith.constant 0 : i32
      %dma_start3A_33 = tpu.memref_slice %arg5[%dma_start3A] : memref<10240xf32, #tpu.memory_space<vmem>> -> memref<640xf32, #tpu.memory_space<vmem>>
      %dma_start3A_34 = tpu.memref_slice %arg3[%add3A_32] : memref<20480xf32, #tpu.memory_space<hbm>> -> memref<640xf32, #tpu.memory_space<hbm>>
      %dma_start3A_35 = tpu.memref_slice %arg3[%add3A_32] : memref<20480xf32, #tpu.memory_space<hbm>> -> memref<640xf32, #tpu.memory_space<hbm>>
      %dma_start3A_36 = arith.constant 0 : i32
      %dma_start3A_37 = tpu.memref_slice %arg5[%dma_start3A_36] : memref<10240xf32, #tpu.memory_space<vmem>> -> memref<640xf32, #tpu.memory_space<vmem>>
      tpu.enqueue_dma source(%dma_start3A_37 : memref<640xf32, #tpu.memory_space<vmem>>) target(%dma_start3A_35 : memref<640xf32, #tpu.memory_space<hbm>>) target_semaphore(%run_scoped3A : memref<!tpu.dma_semaphore, #tpu.memory_space<semaphore_mem>>)
      %dma_wait3A = arith.constant 0 : i32
      %dma_wait3A_38 = tpu.memref_slice %arg5[%dma_wait3A] : memref<10240xf32, #tpu.memory_space<vmem>> -> memref<640xf32, #tpu.memory_space<vmem>>
      %dma_wait3A_39 = tpu.memref_slice %arg3[%add3A_32] : memref<20480xf32, #tpu.memory_space<hbm>> -> memref<640xf32, #tpu.memory_space<hbm>>
      %dma_wait3A_40 = tpu.memref_slice %arg3[%add3A_32] : memref<20480xf32, #tpu.memory_space<hbm>> -> memref<640xf32, #tpu.memory_space<hbm>>
      %dma_wait3A_41 = arith.constant 0 : i32
      %dma_wait3A_42 = tpu.memref_slice %arg5[%dma_wait3A_41] : memref<10240xf32, #tpu.memory_space<vmem>> -> memref<640xf32, #tpu.memory_space<vmem>>
      tpu.wait_dma2 semaphore(%run_scoped3A : memref<!tpu.dma_semaphore, #tpu.memory_space<semaphore_mem>>) src(%dma_wait3A_42 : memref<640xf32, #tpu.memory_space<vmem>>) dst(%dma_wait3A_40 : memref<640xf32, #tpu.memory_space<hbm>>)
      tpu.yield
    }) : () -> ()
    return
  }
}

#map = affine_map<(d0, d1) -> (0, 0)>
#map1 = affine_map<(d0, d1) -> (0)>
module attributes {stable_mosaic.version = 14 : i64} {
  func.func @k(%arg0: i32, %arg1: i32, %arg2: memref<10240x128xf32, #tpu.memory_space<hbm>>, %arg3: memref<323584xi32, #tpu.memory_space<hbm>>, %arg4: memref<323584xi32, #tpu.memory_space<hbm>>, %arg5: memref<20480x128xf32, #tpu.memory_space<hbm>>, %arg6: memref<128xi32, #tpu.memory_space<vmem>>, %arg7: memref<128xi32, #tpu.memory_space<vmem>>, %arg8: memref<128xi32, #tpu.memory_space<vmem>>, %arg9: memref<128xi32, #tpu.memory_space<vmem>>, %arg10: memref<128xi32, #tpu.memory_space<vmem>>, %arg11: memref<128xi32, #tpu.memory_space<vmem>>, %arg12: memref<128x128xf32, #tpu.memory_space<vmem>>, %arg13: memref<10240x128xf32, #tpu.memory_space<vmem_shared>>, %arg14: memref<!tpu.dma_semaphore, #tpu.memory_space<semaphore_mem>>, %arg15: memref<!tpu.dma_semaphore, #tpu.memory_space<semaphore_mem>>, %arg16: memref<!tpu.dma_semaphore, #tpu.memory_space<semaphore_mem>>, %arg17: memref<!tpu.dma_semaphore, #tpu.memory_space<semaphore_mem>>) attributes {dimension_semantics = [#tpu.dimension_semantics<core_parallel>, #tpu.dimension_semantics<subcore_parallel>], iteration_bounds = array<i64: 2, 16>, scalar_prefetch = 0 : i64, scratch_operands = 12 : i64, tpu.core_type = #tpu.core_type<sc_vector_subcore>, window_params = [{transform_indices = #map}, {transform_indices = #map1}, {transform_indices = #map1}, {transform_indices = #map}]} {
    %mul3A = arith.constant 16 : i32
    %mul3A_0 = arith.muli %arg0, %mul3A : i32
    %add3A = arith.addi %mul3A_0, %arg1 : i32
    %broadcast_in_dim3A = arith.constant 0.000000e+00 : f32
    %broadcast_in_dim3A_1 = vector.broadcast %broadcast_in_dim3A : f32 to vector<16xf32>
    %scan3A = arith.constant 0 : i32
    %scan3A_2 = arith.constant 0 : i32
    %scan3A_3 = arith.constant 128 : i32
    %scan3A_4 = arith.addi %scan3A_2, %scan3A_3 : i32
    %scan3A_5 = arith.constant 1 : i32
    %scan3A_6 = scf.for %scan3A_84 = %scan3A_2 to %scan3A_4 step %scan3A_5 iter_args(%scan3A_85 = %scan3A) -> (i32)  : i32 {
      %swap3A = arith.index_cast %scan3A_84 : i32 to index
      %swap3A_86 = arith.constant 0 : index
      %swap3A_87 = tpu.vector_load %arg12[%swap3A, %swap3A_86] {strides = array<i32>} : memref<128x128xf32, #tpu.memory_space<vmem>>, vector<1x16xf32>,
      %swap3A_88 = vector.shape_cast %swap3A_87 : vector<1x16xf32> to vector<16xf32>
      %swap3A_89 = vector.shape_cast %broadcast_in_dim3A_1 : vector<16xf32> to vector<1x16xf32>
      tpu.vector_store %arg12[%swap3A, %swap3A_86], %swap3A_89 {strides = array<i32>} : memref<128x128xf32, #tpu.memory_space<vmem>>, vector<1x16xf32>,
      %swap3A_90 = arith.index_cast %scan3A_84 : i32 to index
      %swap3A_91 = arith.constant 16 : index
      %swap3A_92 = tpu.vector_load %arg12[%swap3A_90, %swap3A_91] {strides = array<i32>} : memref<128x128xf32, #tpu.memory_space<vmem>>, vector<1x16xf32>,
      %swap3A_93 = vector.shape_cast %swap3A_92 : vector<1x16xf32> to vector<16xf32>
      %swap3A_94 = vector.shape_cast %broadcast_in_dim3A_1 : vector<16xf32> to vector<1x16xf32>
      tpu.vector_store %arg12[%swap3A_90, %swap3A_91], %swap3A_94 {strides = array<i32>} : memref<128x128xf32, #tpu.memory_space<vmem>>, vector<1x16xf32>,
      %swap3A_95 = arith.index_cast %scan3A_84 : i32 to index
      %swap3A_96 = arith.constant 32 : index
      %swap3A_97 = tpu.vector_load %arg12[%swap3A_95, %swap3A_96] {strides = array<i32>} : memref<128x128xf32, #tpu.memory_space<vmem>>, vector<1x16xf32>,
      %swap3A_98 = vector.shape_cast %swap3A_97 : vector<1x16xf32> to vector<16xf32>
      %swap3A_99 = vector.shape_cast %broadcast_in_dim3A_1 : vector<16xf32> to vector<1x16xf32>
      tpu.vector_store %arg12[%swap3A_95, %swap3A_96], %swap3A_99 {strides = array<i32>} : memref<128x128xf32, #tpu.memory_space<vmem>>, vector<1x16xf32>,
      %swap3A_100 = arith.index_cast %scan3A_84 : i32 to index
      %swap3A_101 = arith.constant 48 : index
      %swap3A_102 = tpu.vector_load %arg12[%swap3A_100, %swap3A_101] {strides = array<i32>} : memref<128x128xf32, #tpu.memory_space<vmem>>, vector<1x16xf32>,
      %swap3A_103 = vector.shape_cast %swap3A_102 : vector<1x16xf32> to vector<16xf32>
      %swap3A_104 = vector.shape_cast %broadcast_in_dim3A_1 : vector<16xf32> to vector<1x16xf32>
      tpu.vector_store %arg12[%swap3A_100, %swap3A_101], %swap3A_104 {strides = array<i32>} : memref<128x128xf32, #tpu.memory_space<vmem>>, vector<1x16xf32>,
      %swap3A_105 = arith.index_cast %scan3A_84 : i32 to index
      %swap3A_106 = arith.constant 64 : index
      %swap3A_107 = tpu.vector_load %arg12[%swap3A_105, %swap3A_106] {strides = array<i32>} : memref<128x128xf32, #tpu.memory_space<vmem>>, vector<1x16xf32>,
      %swap3A_108 = vector.shape_cast %swap3A_107 : vector<1x16xf32> to vector<16xf32>
      %swap3A_109 = vector.shape_cast %broadcast_in_dim3A_1 : vector<16xf32> to vector<1x16xf32>
      tpu.vector_store %arg12[%swap3A_105, %swap3A_106], %swap3A_109 {strides = array<i32>} : memref<128x128xf32, #tpu.memory_space<vmem>>, vector<1x16xf32>,
      %swap3A_110 = arith.index_cast %scan3A_84 : i32 to index
      %swap3A_111 = arith.constant 80 : index
      %swap3A_112 = tpu.vector_load %arg12[%swap3A_110, %swap3A_111] {strides = array<i32>} : memref<128x128xf32, #tpu.memory_space<vmem>>, vector<1x16xf32>,
      %swap3A_113 = vector.shape_cast %swap3A_112 : vector<1x16xf32> to vector<16xf32>
      %swap3A_114 = vector.shape_cast %broadcast_in_dim3A_1 : vector<16xf32> to vector<1x16xf32>
      tpu.vector_store %arg12[%swap3A_110, %swap3A_111], %swap3A_114 {strides = array<i32>} : memref<128x128xf32, #tpu.memory_space<vmem>>, vector<1x16xf32>,
      %swap3A_115 = arith.index_cast %scan3A_84 : i32 to index
      %swap3A_116 = arith.constant 96 : index
      %swap3A_117 = tpu.vector_load %arg12[%swap3A_115, %swap3A_116] {strides = array<i32>} : memref<128x128xf32, #tpu.memory_space<vmem>>, vector<1x16xf32>,
      %swap3A_118 = vector.shape_cast %swap3A_117 : vector<1x16xf32> to vector<16xf32>
      %swap3A_119 = vector.shape_cast %broadcast_in_dim3A_1 : vector<16xf32> to vector<1x16xf32>
      tpu.vector_store %arg12[%swap3A_115, %swap3A_116], %swap3A_119 {strides = array<i32>} : memref<128x128xf32, #tpu.memory_space<vmem>>, vector<1x16xf32>,
      %swap3A_120 = arith.index_cast %scan3A_84 : i32 to index
      %swap3A_121 = arith.constant 112 : index
      %swap3A_122 = tpu.vector_load %arg12[%swap3A_120, %swap3A_121] {strides = array<i32>} : memref<128x128xf32, #tpu.memory_space<vmem>>, vector<1x16xf32>,
      %swap3A_123 = vector.shape_cast %swap3A_122 : vector<1x16xf32> to vector<16xf32>
      %swap3A_124 = vector.shape_cast %broadcast_in_dim3A_1 : vector<16xf32> to vector<1x16xf32>
      tpu.vector_store %arg12[%swap3A_120, %swap3A_121], %swap3A_124 {strides = array<i32>} : memref<128x128xf32, #tpu.memory_space<vmem>>, vector<1x16xf32>,
      %scan3A_125 = arith.constant 0 : i32
      scf.yield %scan3A_125 : i32
    }
    %scan3A_7 = arith.constant 128 : i32
    %mul3A_8 = arith.constant 640 : i32
    %mul3A_9 = arith.muli %arg1, %mul3A_8 : i32
    %add3A_10 = arith.constant 0 : i32
    %add3A_11 = arith.addi %mul3A_9, %add3A_10 : i32
    "tpu.region"() ({
      %run_scoped3A = tpu.sem_alloc : memref<!tpu.dma_semaphore, #tpu.memory_space<semaphore_mem>>
      %dma_start3A_84 = arith.constant 0 : i32
      %dma_start3A_85 = tpu.memref_slice %arg13[%add3A_11, %dma_start3A_84] : memref<10240x128xf32, #tpu.memory_space<vmem_shared>> -> memref<128x128xf32, #tpu.memory_space<vmem_shared>>
      %dma_start3A_86 = arith.constant 0 : i32
      %dma_start3A_87 = tpu.memref_slice %arg13[%add3A_11, %dma_start3A_86] : memref<10240x128xf32, #tpu.memory_space<vmem_shared>> -> memref<128x128xf32, #tpu.memory_space<vmem_shared>>
      tpu.enqueue_dma source(%arg12 : memref<128x128xf32, #tpu.memory_space<vmem>>) target(%dma_start3A_87 : memref<128x128xf32, #tpu.memory_space<vmem_shared>>) target_semaphore(%run_scoped3A : memref<!tpu.dma_semaphore, #tpu.memory_space<semaphore_mem>>)
      %dma_wait3A_88 = arith.constant 0 : i32
      %dma_wait3A_89 = tpu.memref_slice %arg13[%add3A_11, %dma_wait3A_88] : memref<10240x128xf32, #tpu.memory_space<vmem_shared>> -> memref<128x128xf32, #tpu.memory_space<vmem_shared>>
      %dma_wait3A_90 = arith.constant 0 : i32
      %dma_wait3A_91 = tpu.memref_slice %arg13[%add3A_11, %dma_wait3A_90] : memref<10240x128xf32, #tpu.memory_space<vmem_shared>> -> memref<128x128xf32, #tpu.memory_space<vmem_shared>>
      tpu.wait_dma2 semaphore(%run_scoped3A : memref<!tpu.dma_semaphore, #tpu.memory_space<semaphore_mem>>) src(%arg12 : memref<128x128xf32, #tpu.memory_space<vmem>>) dst(%dma_wait3A_91 : memref<128x128xf32, #tpu.memory_space<vmem_shared>>)
      tpu.yield
    }) : () -> ()
    %mul3A_12 = arith.constant 640 : i32
    %mul3A_13 = arith.muli %arg1, %mul3A_12 : i32
    %add3A_14 = arith.constant 128 : i32
    %add3A_15 = arith.addi %mul3A_13, %add3A_14 : i32
    "tpu.region"() ({
      %run_scoped3A = tpu.sem_alloc : memref<!tpu.dma_semaphore, #tpu.memory_space<semaphore_mem>>
      %dma_start3A_84 = arith.constant 0 : i32
      %dma_start3A_85 = tpu.memref_slice %arg13[%add3A_15, %dma_start3A_84] : memref<10240x128xf32, #tpu.memory_space<vmem_shared>> -> memref<128x128xf32, #tpu.memory_space<vmem_shared>>
      %dma_start3A_86 = arith.constant 0 : i32
      %dma_start3A_87 = tpu.memref_slice %arg13[%add3A_15, %dma_start3A_86] : memref<10240x128xf32, #tpu.memory_space<vmem_shared>> -> memref<128x128xf32, #tpu.memory_space<vmem_shared>>
      tpu.enqueue_dma source(%arg12 : memref<128x128xf32, #tpu.memory_space<vmem>>) target(%dma_start3A_87 : memref<128x128xf32, #tpu.memory_space<vmem_shared>>) target_semaphore(%run_scoped3A : memref<!tpu.dma_semaphore, #tpu.memory_space<semaphore_mem>>)
      %dma_wait3A_88 = arith.constant 0 : i32
      %dma_wait3A_89 = tpu.memref_slice %arg13[%add3A_15, %dma_wait3A_88] : memref<10240x128xf32, #tpu.memory_space<vmem_shared>> -> memref<128x128xf32, #tpu.memory_space<vmem_shared>>
      %dma_wait3A_90 = arith.constant 0 : i32
      %dma_wait3A_91 = tpu.memref_slice %arg13[%add3A_15, %dma_wait3A_90] : memref<10240x128xf32, #tpu.memory_space<vmem_shared>> -> memref<128x128xf32, #tpu.memory_space<vmem_shared>>
      tpu.wait_dma2 semaphore(%run_scoped3A : memref<!tpu.dma_semaphore, #tpu.memory_space<semaphore_mem>>) src(%arg12 : memref<128x128xf32, #tpu.memory_space<vmem>>) dst(%dma_wait3A_91 : memref<128x128xf32, #tpu.memory_space<vmem_shared>>)
      tpu.yield
    }) : () -> ()
    %mul3A_16 = arith.constant 640 : i32
    %mul3A_17 = arith.muli %arg1, %mul3A_16 : i32
    %add3A_18 = arith.constant 256 : i32
    %add3A_19 = arith.addi %mul3A_17, %add3A_18 : i32
    "tpu.region"() ({
      %run_scoped3A = tpu.sem_alloc : memref<!tpu.dma_semaphore, #tpu.memory_space<semaphore_mem>>
      %dma_start3A_84 = arith.constant 0 : i32
      %dma_start3A_85 = tpu.memref_slice %arg13[%add3A_19, %dma_start3A_84] : memref<10240x128xf32, #tpu.memory_space<vmem_shared>> -> memref<128x128xf32, #tpu.memory_space<vmem_shared>>
      %dma_start3A_86 = arith.constant 0 : i32
      %dma_start3A_87 = tpu.memref_slice %arg13[%add3A_19, %dma_start3A_86] : memref<10240x128xf32, #tpu.memory_space<vmem_shared>> -> memref<128x128xf32, #tpu.memory_space<vmem_shared>>
      tpu.enqueue_dma source(%arg12 : memref<128x128xf32, #tpu.memory_space<vmem>>) target(%dma_start3A_87 : memref<128x128xf32, #tpu.memory_space<vmem_shared>>) target_semaphore(%run_scoped3A : memref<!tpu.dma_semaphore, #tpu.memory_space<semaphore_mem>>)
      %dma_wait3A_88 = arith.constant 0 : i32
      %dma_wait3A_89 = tpu.memref_slice %arg13[%add3A_19, %dma_wait3A_88] : memref<10240x128xf32, #tpu.memory_space<vmem_shared>> -> memref<128x128xf32, #tpu.memory_space<vmem_shared>>
      %dma_wait3A_90 = arith.constant 0 : i32
      %dma_wait3A_91 = tpu.memref_slice %arg13[%add3A_19, %dma_wait3A_90] : memref<10240x128xf32, #tpu.memory_space<vmem_shared>> -> memref<128x128xf32, #tpu.memory_space<vmem_shared>>
      tpu.wait_dma2 semaphore(%run_scoped3A : memref<!tpu.dma_semaphore, #tpu.memory_space<semaphore_mem>>) src(%arg12 : memref<128x128xf32, #tpu.memory_space<vmem>>) dst(%dma_wait3A_91 : memref<128x128xf32, #tpu.memory_space<vmem_shared>>)
      tpu.yield
    }) : () -> ()
    %mul3A_20 = arith.constant 640 : i32
    %mul3A_21 = arith.muli %arg1, %mul3A_20 : i32
    %add3A_22 = arith.constant 384 : i32
    %add3A_23 = arith.addi %mul3A_21, %add3A_22 : i32
    "tpu.region"() ({
      %run_scoped3A = tpu.sem_alloc : memref<!tpu.dma_semaphore, #tpu.memory_space<semaphore_mem>>
      %dma_start3A_84 = arith.constant 0 : i32
      %dma_start3A_85 = tpu.memref_slice %arg13[%add3A_23, %dma_start3A_84] : memref<10240x128xf32, #tpu.memory_space<vmem_shared>> -> memref<128x128xf32, #tpu.memory_space<vmem_shared>>
      %dma_start3A_86 = arith.constant 0 : i32
      %dma_start3A_87 = tpu.memref_slice %arg13[%add3A_23, %dma_start3A_86] : memref<10240x128xf32, #tpu.memory_space<vmem_shared>> -> memref<128x128xf32, #tpu.memory_space<vmem_shared>>
      tpu.enqueue_dma source(%arg12 : memref<128x128xf32, #tpu.memory_space<vmem>>) target(%dma_start3A_87 : memref<128x128xf32, #tpu.memory_space<vmem_shared>>) target_semaphore(%run_scoped3A : memref<!tpu.dma_semaphore, #tpu.memory_space<semaphore_mem>>)
      %dma_wait3A_88 = arith.constant 0 : i32
      %dma_wait3A_89 = tpu.memref_slice %arg13[%add3A_23, %dma_wait3A_88] : memref<10240x128xf32, #tpu.memory_space<vmem_shared>> -> memref<128x128xf32, #tpu.memory_space<vmem_shared>>
      %dma_wait3A_90 = arith.constant 0 : i32
      %dma_wait3A_91 = tpu.memref_slice %arg13[%add3A_23, %dma_wait3A_90] : memref<10240x128xf32, #tpu.memory_space<vmem_shared>> -> memref<128x128xf32, #tpu.memory_space<vmem_shared>>
      tpu.wait_dma2 semaphore(%run_scoped3A : memref<!tpu.dma_semaphore, #tpu.memory_space<semaphore_mem>>) src(%arg12 : memref<128x128xf32, #tpu.memory_space<vmem>>) dst(%dma_wait3A_91 : memref<128x128xf32, #tpu.memory_space<vmem_shared>>)
      tpu.yield
    }) : () -> ()
    %mul3A_24 = arith.constant 640 : i32
    %mul3A_25 = arith.muli %arg1, %mul3A_24 : i32
    %add3A_26 = arith.constant 512 : i32
    %add3A_27 = arith.addi %mul3A_25, %add3A_26 : i32
    "tpu.region"() ({
      %run_scoped3A = tpu.sem_alloc : memref<!tpu.dma_semaphore, #tpu.memory_space<semaphore_mem>>
      %dma_start3A_84 = arith.constant 0 : i32
      %dma_start3A_85 = tpu.memref_slice %arg13[%add3A_27, %dma_start3A_84] : memref<10240x128xf32, #tpu.memory_space<vmem_shared>> -> memref<128x128xf32, #tpu.memory_space<vmem_shared>>
      %dma_start3A_86 = arith.constant 0 : i32
      %dma_start3A_87 = tpu.memref_slice %arg13[%add3A_27, %dma_start3A_86] : memref<10240x128xf32, #tpu.memory_space<vmem_shared>> -> memref<128x128xf32, #tpu.memory_space<vmem_shared>>
      tpu.enqueue_dma source(%arg12 : memref<128x128xf32, #tpu.memory_space<vmem>>) target(%dma_start3A_87 : memref<128x128xf32, #tpu.memory_space<vmem_shared>>) target_semaphore(%run_scoped3A : memref<!tpu.dma_semaphore, #tpu.memory_space<semaphore_mem>>)
      %dma_wait3A_88 = arith.constant 0 : i32
      %dma_wait3A_89 = tpu.memref_slice %arg13[%add3A_27, %dma_wait3A_88] : memref<10240x128xf32, #tpu.memory_space<vmem_shared>> -> memref<128x128xf32, #tpu.memory_space<vmem_shared>>
      %dma_wait3A_90 = arith.constant 0 : i32
      %dma_wait3A_91 = tpu.memref_slice %arg13[%add3A_27, %dma_wait3A_90] : memref<10240x128xf32, #tpu.memory_space<vmem_shared>> -> memref<128x128xf32, #tpu.memory_space<vmem_shared>>
      tpu.wait_dma2 semaphore(%run_scoped3A : memref<!tpu.dma_semaphore, #tpu.memory_space<semaphore_mem>>) src(%arg12 : memref<128x128xf32, #tpu.memory_space<vmem>>) dst(%dma_wait3A_91 : memref<128x128xf32, #tpu.memory_space<vmem_shared>>)
      tpu.yield
    }) : () -> ()
    %barrier3A = arith.constant 0 : index
    tpu.barrier barrier_id(%barrier3A)
    %mul3A_28 = arith.constant 10112 : i32
    %mul3A_29 = arith.muli %add3A, %mul3A_28 : i32
    %min3A = arith.constant 0 : i32
    %min3A_30 = arith.constant 78 : i32
    %min3A_31 = arith.minsi %min3A, %min3A_30 : i32
    %mul3A_32 = arith.constant 128 : i32
    %mul3A_33 = arith.muli %min3A_31, %mul3A_32 : i32
    %add3A_34 = arith.addi %mul3A_29, %mul3A_33 : i32
    %dma_start3A = tpu.memref_slice %arg3[%add3A_34] : memref<323584xi32, #tpu.memory_space<hbm>> -> memref<128xi32, #tpu.memory_space<hbm>>
    %dma_start3A_35 = tpu.memref_slice %arg3[%add3A_34] : memref<323584xi32, #tpu.memory_space<hbm>> -> memref<128xi32, #tpu.memory_space<hbm>>
    tpu.enqueue_dma source(%dma_start3A_35 : memref<128xi32, #tpu.memory_space<hbm>>) target(%arg6 : memref<128xi32, #tpu.memory_space<vmem>>) target_semaphore(%arg15 : memref<!tpu.dma_semaphore, #tpu.memory_space<semaphore_mem>>)
    %dma_start3A_36 = tpu.memref_slice %arg4[%add3A_34] : memref<323584xi32, #tpu.memory_space<hbm>> -> memref<128xi32, #tpu.memory_space<hbm>>
    %dma_start3A_37 = tpu.memref_slice %arg4[%add3A_34] : memref<323584xi32, #tpu.memory_space<hbm>> -> memref<128xi32, #tpu.memory_space<hbm>>
    tpu.enqueue_dma source(%dma_start3A_37 : memref<128xi32, #tpu.memory_space<hbm>>) target(%arg7 : memref<128xi32, #tpu.memory_space<vmem>>) target_semaphore(%arg15 : memref<!tpu.dma_semaphore, #tpu.memory_space<semaphore_mem>>)
    %dma_wait3A = arith.constant 0 : i32
    %dma_wait3A_38 = tpu.memref_slice %arg3[%dma_wait3A] : memref<323584xi32, #tpu.memory_space<hbm>> -> memref<128xi32, #tpu.memory_space<hbm>>
    %dma_wait3A_39 = arith.constant 0 : i32
    %dma_wait3A_40 = tpu.memref_slice %arg3[%dma_wait3A_39] : memref<323584xi32, #tpu.memory_space<hbm>> -> memref<128xi32, #tpu.memory_space<hbm>>
    tpu.wait_dma2 semaphore(%arg15 : memref<!tpu.dma_semaphore, #tpu.memory_space<semaphore_mem>>) src(%dma_wait3A_40 : memref<128xi32, #tpu.memory_space<hbm>>) dst(%arg6 : memref<128xi32, #tpu.memory_space<vmem>>)
    %dma_wait3A_41 = arith.constant 0 : i32
    %dma_wait3A_42 = tpu.memref_slice %arg4[%dma_wait3A_41] : memref<323584xi32, #tpu.memory_space<hbm>> -> memref<128xi32, #tpu.memory_space<hbm>>
    %dma_wait3A_43 = arith.constant 0 : i32
    %dma_wait3A_44 = tpu.memref_slice %arg4[%dma_wait3A_43] : memref<323584xi32, #tpu.memory_space<hbm>> -> memref<128xi32, #tpu.memory_space<hbm>>
    tpu.wait_dma2 semaphore(%arg15 : memref<!tpu.dma_semaphore, #tpu.memory_space<semaphore_mem>>) src(%dma_wait3A_44 : memref<128xi32, #tpu.memory_space<hbm>>) dst(%arg7 : memref<128xi32, #tpu.memory_space<vmem>>)
    %min3A_45 = arith.constant 1 : i32
    %min3A_46 = arith.constant 78 : i32
    %min3A_47 = arith.minsi %min3A_45, %min3A_46 : i32
    %mul3A_48 = arith.constant 128 : i32
    %mul3A_49 = arith.muli %min3A_47, %mul3A_48 : i32
    %add3A_50 = arith.addi %mul3A_29, %mul3A_49 : i32
    %dma_start3A_51 = tpu.memref_slice %arg3[%add3A_50] : memref<323584xi32, #tpu.memory_space<hbm>> -> memref<128xi32, #tpu.memory_space<hbm>>
    %dma_start3A_52 = tpu.memref_slice %arg3[%add3A_50] : memref<323584xi32, #tpu.memory_space<hbm>> -> memref<128xi32, #tpu.memory_space<hbm>>
    tpu.enqueue_dma source(%dma_start3A_52 : memref<128xi32, #tpu.memory_space<hbm>>) target(%arg8 : memref<128xi32, #tpu.memory_space<vmem>>) target_semaphore(%arg16 : memref<!tpu.dma_semaphore, #tpu.memory_space<semaphore_mem>>)
    %dma_start3A_53 = tpu.memref_slice %arg4[%add3A_50] : memref<323584xi32, #tpu.memory_space<hbm>> -> memref<128xi32, #tpu.memory_space<hbm>>
    %dma_start3A_54 = tpu.memref_slice %arg4[%add3A_50] : memref<323584xi32, #tpu.memory_space<hbm>> -> memref<128xi32, #tpu.memory_space<hbm>>
    tpu.enqueue_dma source(%dma_start3A_54 : memref<128xi32, #tpu.memory_space<hbm>>) target(%arg9 : memref<128xi32, #tpu.memory_space<vmem>>) target_semaphore(%arg16 : memref<!tpu.dma_semaphore, #tpu.memory_space<semaphore_mem>>)
    %dma_wait3A_55 = arith.constant 0 : i32
    %dma_wait3A_56 = tpu.memref_slice %arg3[%dma_wait3A_55] : memref<323584xi32, #tpu.memory_space<hbm>> -> memref<128xi32, #tpu.memory_space<hbm>>
    %dma_wait3A_57 = arith.constant 0 : i32
    %dma_wait3A_58 = tpu.memref_slice %arg3[%dma_wait3A_57] : memref<323584xi32, #tpu.memory_space<hbm>> -> memref<128xi32, #tpu.memory_space<hbm>>
    tpu.wait_dma2 semaphore(%arg16 : memref<!tpu.dma_semaphore, #tpu.memory_space<semaphore_mem>>) src(%dma_wait3A_58 : memref<128xi32, #tpu.memory_space<hbm>>) dst(%arg8 : memref<128xi32, #tpu.memory_space<vmem>>)
    %dma_wait3A_59 = arith.constant 0 : i32
    %dma_wait3A_60 = tpu.memref_slice %arg4[%dma_wait3A_59] : memref<323584xi32, #tpu.memory_space<hbm>> -> memref<128xi32, #tpu.memory_space<hbm>>
    %dma_wait3A_61 = arith.constant 0 : i32
    %dma_wait3A_62 = tpu.memref_slice %arg4[%dma_wait3A_61] : memref<323584xi32, #tpu.memory_space<hbm>> -> memref<128xi32, #tpu.memory_space<hbm>>
    tpu.wait_dma2 semaphore(%arg16 : memref<!tpu.dma_semaphore, #tpu.memory_space<semaphore_mem>>) src(%dma_wait3A_62 : memref<128xi32, #tpu.memory_space<hbm>>) dst(%arg9 : memref<128xi32, #tpu.memory_space<vmem>>)
    %scan3A_63 = arith.constant 0 : i32
    %scan3A_64 = arith.constant 0 : i32
    %scan3A_65 = arith.constant 26 : i32
    %scan3A_66 = arith.addi %scan3A_64, %scan3A_65 : i32
    %scan3A_67 = arith.constant 1 : i32
    %scan3A_68 = scf.for %scan3A_84 = %scan3A_64 to %scan3A_66 step %scan3A_67 iter_args(%scan3A_85 = %scan3A_63) -> (i32)  : i32 {
      %mul3A_86 = arith.constant 3 : i32
      %mul3A_87 = arith.muli %scan3A_84, %mul3A_86 : i32
      %dma_start3A_88 = arith.constant 0 : i32
      %dma_start3A_89 = arith.constant 0 : i32
      %dma_start3A_90 = tpu.memref_slice %arg2[%dma_start3A_88, %dma_start3A_89] : memref<10240x128xf32, #tpu.memory_space<hbm>> -> memref<10240x128xf32, #tpu.memory_space<hbm>>
      tpu.enqueue_indirect_dma source(%dma_start3A_90 : memref<10240x128xf32, #tpu.memory_space<hbm>>) target(%arg12 : memref<128x128xf32, #tpu.memory_space<vmem>>) offsets(%arg6 : memref<128xi32, #tpu.memory_space<vmem>>) semaphore(%arg14 : memref<!tpu.dma_semaphore, #tpu.memory_space<semaphore_mem>>)
      %dma_wait3A_91 = arith.constant 0 : i32
      %dma_wait3A_92 = arith.constant 0 : i32
      %dma_wait3A_93 = tpu.memref_slice %arg2[%dma_wait3A_91, %dma_wait3A_92] : memref<10240x128xf32, #tpu.memory_space<hbm>> -> memref<10240x128xf32, #tpu.memory_space<hbm>>
      tpu.wait_indirect_dma semaphore(%arg14 : memref<!tpu.dma_semaphore, #tpu.memory_space<semaphore_mem>>) src(%dma_wait3A_93 : memref<10240x128xf32, #tpu.memory_space<hbm>>) dst(%arg12 : memref<128x128xf32, #tpu.memory_space<vmem>>)
      %add3A_94 = arith.constant 2 : i32
      %add3A_95 = arith.addi %mul3A_87, %add3A_94 : i32
      %min3A_96 = arith.constant 78 : i32
      %min3A_97 = arith.minsi %add3A_95, %min3A_96 : i32
      %mul3A_98 = arith.constant 128 : i32
      %mul3A_99 = arith.muli %min3A_97, %mul3A_98 : i32
      %add3A_100 = arith.addi %mul3A_29, %mul3A_99 : i32
      %dma_start3A_101 = tpu.memref_slice %arg3[%add3A_100] : memref<323584xi32, #tpu.memory_space<hbm>> -> memref<128xi32, #tpu.memory_space<hbm>>
      %dma_start3A_102 = tpu.memref_slice %arg3[%add3A_100] : memref<323584xi32, #tpu.memory_space<hbm>> -> memref<128xi32, #tpu.memory_space<hbm>>
      tpu.enqueue_dma source(%dma_start3A_102 : memref<128xi32, #tpu.memory_space<hbm>>) target(%arg10 : memref<128xi32, #tpu.memory_space<vmem>>) target_semaphore(%arg17 : memref<!tpu.dma_semaphore, #tpu.memory_space<semaphore_mem>>)
      %dma_start3A_103 = tpu.memref_slice %arg4[%add3A_100] : memref<323584xi32, #tpu.memory_space<hbm>> -> memref<128xi32, #tpu.memory_space<hbm>>
      %dma_start3A_104 = tpu.memref_slice %arg4[%add3A_100] : memref<323584xi32, #tpu.memory_space<hbm>> -> memref<128xi32, #tpu.memory_space<hbm>>
      tpu.enqueue_dma source(%dma_start3A_104 : memref<128xi32, #tpu.memory_space<hbm>>) target(%arg11 : memref<128xi32, #tpu.memory_space<vmem>>) target_semaphore(%arg17 : memref<!tpu.dma_semaphore, #tpu.memory_space<semaphore_mem>>)
      "tpu.region"() ({
        %run_scoped3A = tpu.sem_alloc : memref<!tpu.dma_semaphore, #tpu.memory_space<semaphore_mem>>
        %dma_start3A_168 = arith.constant 0 : i32
        %dma_start3A_169 = arith.constant 0 : i32
        %dma_start3A_170 = tpu.memref_slice %arg13[%dma_start3A_168, %dma_start3A_169] : memref<10240x128xf32, #tpu.memory_space<vmem_shared>> -> memref<10240x128xf32, #tpu.memory_space<vmem_shared>>
        tpu.enqueue_indirect_dma source(%arg12 : memref<128x128xf32, #tpu.memory_space<vmem>>) target(%dma_start3A_170 : memref<10240x128xf32, #tpu.memory_space<vmem_shared>>) offsets(%arg7 : memref<128xi32, #tpu.memory_space<vmem>>) semaphore(%run_scoped3A : memref<!tpu.dma_semaphore, #tpu.memory_space<semaphore_mem>>) {add = true}
        %dma_wait3A_171 = arith.constant 0 : i32
        %dma_wait3A_172 = arith.constant 0 : i32
        %dma_wait3A_173 = tpu.memref_slice %arg13[%dma_wait3A_171, %dma_wait3A_172] : memref<10240x128xf32, #tpu.memory_space<vmem_shared>> -> memref<10240x128xf32, #tpu.memory_space<vmem_shared>>
        tpu.wait_indirect_dma semaphore(%run_scoped3A : memref<!tpu.dma_semaphore, #tpu.memory_space<semaphore_mem>>) src(%arg12 : memref<128x128xf32, #tpu.memory_space<vmem>>) dst(%dma_wait3A_173 : memref<10240x128xf32, #tpu.memory_space<vmem_shared>>)
        tpu.yield
      }) : () -> ()
      %dma_wait3A_105 = arith.constant 0 : i32
      %dma_wait3A_106 = tpu.memref_slice %arg3[%dma_wait3A_105] : memref<323584xi32, #tpu.memory_space<hbm>> -> memref<128xi32, #tpu.memory_space<hbm>>
      %dma_wait3A_107 = arith.constant 0 : i32
      %dma_wait3A_108 = tpu.memref_slice %arg3[%dma_wait3A_107] : memref<323584xi32, #tpu.memory_space<hbm>> -> memref<128xi32, #tpu.memory_space<hbm>>
      tpu.wait_dma2 semaphore(%arg17 : memref<!tpu.dma_semaphore, #tpu.memory_space<semaphore_mem>>) src(%dma_wait3A_108 : memref<128xi32, #tpu.memory_space<hbm>>) dst(%arg10 : memref<128xi32, #tpu.memory_space<vmem>>)
      %dma_wait3A_109 = arith.constant 0 : i32
      %dma_wait3A_110 = tpu.memref_slice %arg4[%dma_wait3A_109] : memref<323584xi32, #tpu.memory_space<hbm>> -> memref<128xi32, #tpu.memory_space<hbm>>
      %dma_wait3A_111 = arith.constant 0 : i32
      %dma_wait3A_112 = tpu.memref_slice %arg4[%dma_wait3A_111] : memref<323584xi32, #tpu.memory_space<hbm>> -> memref<128xi32, #tpu.memory_space<hbm>>
      tpu.wait_dma2 semaphore(%arg17 : memref<!tpu.dma_semaphore, #tpu.memory_space<semaphore_mem>>) src(%dma_wait3A_112 : memref<128xi32, #tpu.memory_space<hbm>>) dst(%arg11 : memref<128xi32, #tpu.memory_space<vmem>>)
      %add3A_113 = arith.constant 1 : i32
      %add3A_114 = arith.addi %mul3A_87, %add3A_113 : i32
      %dma_start3A_115 = arith.constant 0 : i32
      %dma_start3A_116 = arith.constant 0 : i32
      %dma_start3A_117 = tpu.memref_slice %arg2[%dma_start3A_115, %dma_start3A_116] : memref<10240x128xf32, #tpu.memory_space<hbm>> -> memref<10240x128xf32, #tpu.memory_space<hbm>>
      tpu.enqueue_indirect_dma source(%dma_start3A_117 : memref<10240x128xf32, #tpu.memory_space<hbm>>) target(%arg12 : memref<128x128xf32, #tpu.memory_space<vmem>>) offsets(%arg8 : memref<128xi32, #tpu.memory_space<vmem>>) semaphore(%arg14 : memref<!tpu.dma_semaphore, #tpu.memory_space<semaphore_mem>>)
      %dma_wait3A_118 = arith.constant 0 : i32
      %dma_wait3A_119 = arith.constant 0 : i32
      %dma_wait3A_120 = tpu.memref_slice %arg2[%dma_wait3A_118, %dma_wait3A_119] : memref<10240x128xf32, #tpu.memory_space<hbm>> -> memref<10240x128xf32, #tpu.memory_space<hbm>>
      tpu.wait_indirect_dma semaphore(%arg14 : memref<!tpu.dma_semaphore, #tpu.memory_space<semaphore_mem>>) src(%dma_wait3A_120 : memref<10240x128xf32, #tpu.memory_space<hbm>>) dst(%arg12 : memref<128x128xf32, #tpu.memory_space<vmem>>)
      %add3A_121 = arith.constant 2 : i32
      %add3A_122 = arith.addi %add3A_114, %add3A_121 : i32
      %min3A_123 = arith.constant 78 : i32
      %min3A_124 = arith.minsi %add3A_122, %min3A_123 : i32
      %mul3A_125 = arith.constant 128 : i32
      %mul3A_126 = arith.muli %min3A_124, %mul3A_125 : i32
      %add3A_127 = arith.addi %mul3A_29, %mul3A_126 : i32
      %dma_start3A_128 = tpu.memref_slice %arg3[%add3A_127] : memref<323584xi32, #tpu.memory_space<hbm>> -> memref<128xi32, #tpu.memory_space<hbm>>
      %dma_start3A_129 = tpu.memref_slice %arg3[%add3A_127] : memref<323584xi32, #tpu.memory_space<hbm>> -> memref<128xi32, #tpu.memory_space<hbm>>
      tpu.enqueue_dma source(%dma_start3A_129 : memref<128xi32, #tpu.memory_space<hbm>>) target(%arg6 : memref<128xi32, #tpu.memory_space<vmem>>) target_semaphore(%arg15 : memref<!tpu.dma_semaphore, #tpu.memory_space<semaphore_mem>>)
      %dma_start3A_130 = tpu.memref_slice %arg4[%add3A_127] : memref<323584xi32, #tpu.memory_space<hbm>> -> memref<128xi32, #tpu.memory_space<hbm>>
      %dma_start3A_131 = tpu.memref_slice %arg4[%add3A_127] : memref<323584xi32, #tpu.memory_space<hbm>> -> memref<128xi32, #tpu.memory_space<hbm>>
      tpu.enqueue_dma source(%dma_start3A_131 : memref<128xi32, #tpu.memory_space<hbm>>) target(%arg7 : memref<128xi32, #tpu.memory_space<vmem>>) target_semaphore(%arg15 : memref<!tpu.dma_semaphore, #tpu.memory_space<semaphore_mem>>)
      "tpu.region"() ({
        %run_scoped3A = tpu.sem_alloc : memref<!tpu.dma_semaphore, #tpu.memory_space<semaphore_mem>>
        %dma_start3A_168 = arith.constant 0 : i32
        %dma_start3A_169 = arith.constant 0 : i32
        %dma_start3A_170 = tpu.memref_slice %arg13[%dma_start3A_168, %dma_start3A_169] : memref<10240x128xf32, #tpu.memory_space<vmem_shared>> -> memref<10240x128xf32, #tpu.memory_space<vmem_shared>>
        tpu.enqueue_indirect_dma source(%arg12 : memref<128x128xf32, #tpu.memory_space<vmem>>) target(%dma_start3A_170 : memref<10240x128xf32, #tpu.memory_space<vmem_shared>>) offsets(%arg9 : memref<128xi32, #tpu.memory_space<vmem>>) semaphore(%run_scoped3A : memref<!tpu.dma_semaphore, #tpu.memory_space<semaphore_mem>>) {add = true}
        %dma_wait3A_171 = arith.constant 0 : i32
        %dma_wait3A_172 = arith.constant 0 : i32
        %dma_wait3A_173 = tpu.memref_slice %arg13[%dma_wait3A_171, %dma_wait3A_172] : memref<10240x128xf32, #tpu.memory_space<vmem_shared>> -> memref<10240x128xf32, #tpu.memory_space<vmem_shared>>
        tpu.wait_indirect_dma semaphore(%run_scoped3A : memref<!tpu.dma_semaphore, #tpu.memory_space<semaphore_mem>>) src(%arg12 : memref<128x128xf32, #tpu.memory_space<vmem>>) dst(%dma_wait3A_173 : memref<10240x128xf32, #tpu.memory_space<vmem_shared>>)
        tpu.yield
      }) : () -> ()
      %dma_wait3A_132 = arith.constant 0 : i32
      %dma_wait3A_133 = tpu.memref_slice %arg3[%dma_wait3A_132] : memref<323584xi32, #tpu.memory_space<hbm>> -> memref<128xi32, #tpu.memory_space<hbm>>
      %dma_wait3A_134 = arith.constant 0 : i32
      %dma_wait3A_135 = tpu.memref_slice %arg3[%dma_wait3A_134] : memref<323584xi32, #tpu.memory_space<hbm>> -> memref<128xi32, #tpu.memory_space<hbm>>
      tpu.wait_dma2 semaphore(%arg15 : memref<!tpu.dma_semaphore, #tpu.memory_space<semaphore_mem>>) src(%dma_wait3A_135 : memref<128xi32, #tpu.memory_space<hbm>>) dst(%arg6 : memref<128xi32, #tpu.memory_space<vmem>>)
      %dma_wait3A_136 = arith.constant 0 : i32
      %dma_wait3A_137 = tpu.memref_slice %arg4[%dma_wait3A_136] : memref<323584xi32, #tpu.memory_space<hbm>> -> memref<128xi32, #tpu.memory_space<hbm>>
      %dma_wait3A_138 = arith.constant 0 : i32
      %dma_wait3A_139 = tpu.memref_slice %arg4[%dma_wait3A_138] : memref<323584xi32, #tpu.memory_space<hbm>> -> memref<128xi32, #tpu.memory_space<hbm>>
      tpu.wait_dma2 semaphore(%arg15 : memref<!tpu.dma_semaphore, #tpu.memory_space<semaphore_mem>>) src(%dma_wait3A_139 : memref<128xi32, #tpu.memory_space<hbm>>) dst(%arg7 : memref<128xi32, #tpu.memory_space<vmem>>)
      %add3A_140 = arith.constant 2 : i32
      %add3A_141 = arith.addi %mul3A_87, %add3A_140 : i32
      %dma_start3A_142 = arith.constant 0 : i32
      %dma_start3A_143 = arith.constant 0 : i32
      %dma_start3A_144 = tpu.memref_slice %arg2[%dma_start3A_142, %dma_start3A_143] : memref<10240x128xf32, #tpu.memory_space<hbm>> -> memref<10240x128xf32, #tpu.memory_space<hbm>>
      tpu.enqueue_indirect_dma source(%dma_start3A_144 : memref<10240x128xf32, #tpu.memory_space<hbm>>) target(%arg12 : memref<128x128xf32, #tpu.memory_space<vmem>>) offsets(%arg10 : memref<128xi32, #tpu.memory_space<vmem>>) semaphore(%arg14 : memref<!tpu.dma_semaphore, #tpu.memory_space<semaphore_mem>>)
      %dma_wait3A_145 = arith.constant 0 : i32
      %dma_wait3A_146 = arith.constant 0 : i32
      %dma_wait3A_147 = tpu.memref_slice %arg2[%dma_wait3A_145, %dma_wait3A_146] : memref<10240x128xf32, #tpu.memory_space<hbm>> -> memref<10240x128xf32, #tpu.memory_space<hbm>>
      tpu.wait_indirect_dma semaphore(%arg14 : memref<!tpu.dma_semaphore, #tpu.memory_space<semaphore_mem>>) src(%dma_wait3A_147 : memref<10240x128xf32, #tpu.memory_space<hbm>>) dst(%arg12 : memref<128x128xf32, #tpu.memory_space<vmem>>)
      %add3A_148 = arith.constant 2 : i32
      %add3A_149 = arith.addi %add3A_141, %add3A_148 : i32
      %min3A_150 = arith.constant 78 : i32
      %min3A_151 = arith.minsi %add3A_149, %min3A_150 : i32
      %mul3A_152 = arith.constant 128 : i32
      %mul3A_153 = arith.muli %min3A_151, %mul3A_152 : i32
      %add3A_154 = arith.addi %mul3A_29, %mul3A_153 : i32
      %dma_start3A_155 = tpu.memref_slice %arg3[%add3A_154] : memref<323584xi32, #tpu.memory_space<hbm>> -> memref<128xi32, #tpu.memory_space<hbm>>
      %dma_start3A_156 = tpu.memref_slice %arg3[%add3A_154] : memref<323584xi32, #tpu.memory_space<hbm>> -> memref<128xi32, #tpu.memory_space<hbm>>
      tpu.enqueue_dma source(%dma_start3A_156 : memref<128xi32, #tpu.memory_space<hbm>>) target(%arg8 : memref<128xi32, #tpu.memory_space<vmem>>) target_semaphore(%arg16 : memref<!tpu.dma_semaphore, #tpu.memory_space<semaphore_mem>>)
      %dma_start3A_157 = tpu.memref_slice %arg4[%add3A_154] : memref<323584xi32, #tpu.memory_space<hbm>> -> memref<128xi32, #tpu.memory_space<hbm>>
      %dma_start3A_158 = tpu.memref_slice %arg4[%add3A_154] : memref<323584xi32, #tpu.memory_space<hbm>> -> memref<128xi32, #tpu.memory_space<hbm>>
      tpu.enqueue_dma source(%dma_start3A_158 : memref<128xi32, #tpu.memory_space<hbm>>) target(%arg9 : memref<128xi32, #tpu.memory_space<vmem>>) target_semaphore(%arg16 : memref<!tpu.dma_semaphore, #tpu.memory_space<semaphore_mem>>)
      "tpu.region"() ({
        %run_scoped3A = tpu.sem_alloc : memref<!tpu.dma_semaphore, #tpu.memory_space<semaphore_mem>>
        %dma_start3A_168 = arith.constant 0 : i32
        %dma_start3A_169 = arith.constant 0 : i32
        %dma_start3A_170 = tpu.memref_slice %arg13[%dma_start3A_168, %dma_start3A_169] : memref<10240x128xf32, #tpu.memory_space<vmem_shared>> -> memref<10240x128xf32, #tpu.memory_space<vmem_shared>>
        tpu.enqueue_indirect_dma source(%arg12 : memref<128x128xf32, #tpu.memory_space<vmem>>) target(%dma_start3A_170 : memref<10240x128xf32, #tpu.memory_space<vmem_shared>>) offsets(%arg11 : memref<128xi32, #tpu.memory_space<vmem>>) semaphore(%run_scoped3A : memref<!tpu.dma_semaphore, #tpu.memory_space<semaphore_mem>>) {add = true}
        %dma_wait3A_171 = arith.constant 0 : i32
        %dma_wait3A_172 = arith.constant 0 : i32
        %dma_wait3A_173 = tpu.memref_slice %arg13[%dma_wait3A_171, %dma_wait3A_172] : memref<10240x128xf32, #tpu.memory_space<vmem_shared>> -> memref<10240x128xf32, #tpu.memory_space<vmem_shared>>
        tpu.wait_indirect_dma semaphore(%run_scoped3A : memref<!tpu.dma_semaphore, #tpu.memory_space<semaphore_mem>>) src(%arg12 : memref<128x128xf32, #tpu.memory_space<vmem>>) dst(%dma_wait3A_173 : memref<10240x128xf32, #tpu.memory_space<vmem_shared>>)
        tpu.yield
      }) : () -> ()
      %dma_wait3A_159 = arith.constant 0 : i32
      %dma_wait3A_160 = tpu.memref_slice %arg3[%dma_wait3A_159] : memref<323584xi32, #tpu.memory_space<hbm>> -> memref<128xi32, #tpu.memory_space<hbm>>
      %dma_wait3A_161 = arith.constant 0 : i32
      %dma_wait3A_162 = tpu.memref_slice %arg3[%dma_wait3A_161] : memref<323584xi32, #tpu.memory_space<hbm>> -> memref<128xi32, #tpu.memory_space<hbm>>
      tpu.wait_dma2 semaphore(%arg16 : memref<!tpu.dma_semaphore, #tpu.memory_space<semaphore_mem>>) src(%dma_wait3A_162 : memref<128xi32, #tpu.memory_space<hbm>>) dst(%arg8 : memref<128xi32, #tpu.memory_space<vmem>>)
      %dma_wait3A_163 = arith.constant 0 : i32
      %dma_wait3A_164 = tpu.memref_slice %arg4[%dma_wait3A_163] : memref<323584xi32, #tpu.memory_space<hbm>> -> memref<128xi32, #tpu.memory_space<hbm>>
      %dma_wait3A_165 = arith.constant 0 : i32
      %dma_wait3A_166 = tpu.memref_slice %arg4[%dma_wait3A_165] : memref<323584xi32, #tpu.memory_space<hbm>> -> memref<128xi32, #tpu.memory_space<hbm>>
      tpu.wait_dma2 semaphore(%arg16 : memref<!tpu.dma_semaphore, #tpu.memory_space<semaphore_mem>>) src(%dma_wait3A_166 : memref<128xi32, #tpu.memory_space<hbm>>) dst(%arg9 : memref<128xi32, #tpu.memory_space<vmem>>)
      %scan3A_167 = arith.constant 0 : i32
      scf.yield %scan3A_167 : i32
    }
    %scan3A_69 = arith.constant 26 : i32
    %dma_start3A_70 = arith.constant 0 : i32
    %dma_start3A_71 = arith.constant 0 : i32
    %dma_start3A_72 = tpu.memref_slice %arg2[%dma_start3A_70, %dma_start3A_71] : memref<10240x128xf32, #tpu.memory_space<hbm>> -> memref<10240x128xf32, #tpu.memory_space<hbm>>
    tpu.enqueue_indirect_dma source(%dma_start3A_72 : memref<10240x128xf32, #tpu.memory_space<hbm>>) target(%arg12 : memref<128x128xf32, #tpu.memory_space<vmem>>) offsets(%arg6 : memref<128xi32, #tpu.memory_space<vmem>>) semaphore(%arg14 : memref<!tpu.dma_semaphore, #tpu.memory_space<semaphore_mem>>)
    %dma_wait3A_73 = arith.constant 0 : i32
    %dma_wait3A_74 = arith.constant 0 : i32
    %dma_wait3A_75 = tpu.memref_slice %arg2[%dma_wait3A_73, %dma_wait3A_74] : memref<10240x128xf32, #tpu.memory_space<hbm>> -> memref<10240x128xf32, #tpu.memory_space<hbm>>
    tpu.wait_indirect_dma semaphore(%arg14 : memref<!tpu.dma_semaphore, #tpu.memory_space<semaphore_mem>>) src(%dma_wait3A_75 : memref<10240x128xf32, #tpu.memory_space<hbm>>) dst(%arg12 : memref<128x128xf32, #tpu.memory_space<vmem>>)
    "tpu.region"() ({
      %run_scoped3A = tpu.sem_alloc : memref<!tpu.dma_semaphore, #tpu.memory_space<semaphore_mem>>
      %dma_start3A_84 = arith.constant 0 : i32
      %dma_start3A_85 = arith.constant 0 : i32
      %dma_start3A_86 = tpu.memref_slice %arg13[%dma_start3A_84, %dma_start3A_85] : memref<10240x128xf32, #tpu.memory_space<vmem_shared>> -> memref<10240x128xf32, #tpu.memory_space<vmem_shared>>
      tpu.enqueue_indirect_dma source(%arg12 : memref<128x128xf32, #tpu.memory_space<vmem>>) target(%dma_start3A_86 : memref<10240x128xf32, #tpu.memory_space<vmem_shared>>) offsets(%arg7 : memref<128xi32, #tpu.memory_space<vmem>>) semaphore(%run_scoped3A : memref<!tpu.dma_semaphore, #tpu.memory_space<semaphore_mem>>) {add = true}
      %dma_wait3A_87 = arith.constant 0 : i32
      %dma_wait3A_88 = arith.constant 0 : i32
      %dma_wait3A_89 = tpu.memref_slice %arg13[%dma_wait3A_87, %dma_wait3A_88] : memref<10240x128xf32, #tpu.memory_space<vmem_shared>> -> memref<10240x128xf32, #tpu.memory_space<vmem_shared>>
      tpu.wait_indirect_dma semaphore(%run_scoped3A : memref<!tpu.dma_semaphore, #tpu.memory_space<semaphore_mem>>) src(%arg12 : memref<128x128xf32, #tpu.memory_space<vmem>>) dst(%dma_wait3A_89 : memref<10240x128xf32, #tpu.memory_space<vmem_shared>>)
      tpu.yield
    }) : () -> ()
    %barrier3A_76 = arith.constant 0 : index
    tpu.barrier barrier_id(%barrier3A_76)
    %mul3A_77 = arith.constant 640 : i32
    %mul3A_78 = arith.muli %arg1, %mul3A_77 : i32
    %mul3A_79 = arith.constant 10240 : i32
    %mul3A_80 = arith.muli %arg0, %mul3A_79 : i32
    %mul3A_81 = arith.constant 640 : i32
    %mul3A_82 = arith.muli %arg1, %mul3A_81 : i32
    %add3A_83 = arith.addi %mul3A_80, %mul3A_82 : i32
    "tpu.region"() ({
      %run_scoped3A = tpu.sem_alloc : memref<!tpu.dma_semaphore, #tpu.memory_space<semaphore_mem>>
      %dma_start3A_84 = arith.constant 0 : i32
      %dma_start3A_85 = tpu.memref_slice %arg5[%add3A_83, %dma_start3A_84] : memref<20480x128xf32, #tpu.memory_space<hbm>> -> memref<640x128xf32, #tpu.memory_space<hbm>>
      %dma_start3A_86 = arith.constant 0 : i32
      %dma_start3A_87 = tpu.memref_slice %arg13[%mul3A_78, %dma_start3A_86] : memref<10240x128xf32, #tpu.memory_space<vmem_shared>> -> memref<640x128xf32, #tpu.memory_space<vmem_shared>>
      tpu.enqueue_dma source(%dma_start3A_87 : memref<640x128xf32, #tpu.memory_space<vmem_shared>>) target(%dma_start3A_85 : memref<640x128xf32, #tpu.memory_space<hbm>>) target_semaphore(%run_scoped3A : memref<!tpu.dma_semaphore, #tpu.memory_space<semaphore_mem>>)
      %dma_wait3A_88 = arith.constant 0 : i32
      %dma_wait3A_89 = tpu.memref_slice %arg5[%add3A_83, %dma_wait3A_88] : memref<20480x128xf32, #tpu.memory_space<hbm>> -> memref<640x128xf32, #tpu.memory_space<hbm>>
      %dma_wait3A_90 = arith.constant 0 : i32
      %dma_wait3A_91 = tpu.memref_slice %arg13[%mul3A_78, %dma_wait3A_90] : memref<10240x128xf32, #tpu.memory_space<vmem_shared>> -> memref<640x128xf32, #tpu.memory_space<vmem_shared>>
      tpu.wait_dma2 semaphore(%run_scoped3A : memref<!tpu.dma_semaphore, #tpu.memory_space<semaphore_mem>>) src(%dma_wait3A_91 : memref<640x128xf32, #tpu.memory_space<vmem_shared>>) dst(%dma_wait3A_89 : memref<640x128xf32, #tpu.memory_space<hbm>>)
      tpu.yield
    }) : () -> ()
    return
  }
}

#map = affine_map<(d0, d1) -> (0, 0)>
#map1 = affine_map<(d0, d1) -> (0)>
module attributes {stable_mosaic.version = 14 : i64} {
  func.func @k(%arg0: i32, %arg1: i32, %arg2: memref<10240x128xf32, #tpu.memory_space<hbm>>, %arg3: memref<323584xi32, #tpu.memory_space<hbm>>, %arg4: memref<323584xi32, #tpu.memory_space<hbm>>, %arg5: memref<20480x128xf32, #tpu.memory_space<hbm>>, %arg6: memref<128xi32, #tpu.memory_space<vmem>>, %arg7: memref<128xi32, #tpu.memory_space<vmem>>, %arg8: memref<128xi32, #tpu.memory_space<vmem>>, %arg9: memref<128xi32, #tpu.memory_space<vmem>>, %arg10: memref<128xi32, #tpu.memory_space<vmem>>, %arg11: memref<128xi32, #tpu.memory_space<vmem>>, %arg12: memref<128x128xf32, #tpu.memory_space<vmem>>, %arg13: memref<10240x128xf32, #tpu.memory_space<vmem_shared>>, %arg14: memref<!tpu.dma_semaphore, #tpu.memory_space<semaphore_mem>>, %arg15: memref<!tpu.dma_semaphore, #tpu.memory_space<semaphore_mem>>, %arg16: memref<!tpu.dma_semaphore, #tpu.memory_space<semaphore_mem>>, %arg17: memref<!tpu.dma_semaphore, #tpu.memory_space<semaphore_mem>>) attributes {dimension_semantics = [#tpu.dimension_semantics<core_parallel>, #tpu.dimension_semantics<subcore_parallel>], iteration_bounds = array<i64: 2, 16>, scalar_prefetch = 0 : i64, scratch_operands = 12 : i64, tpu.core_type = #tpu.core_type<sc_vector_subcore>, window_params = [{transform_indices = #map}, {transform_indices = #map1}, {transform_indices = #map1}, {transform_indices = #map}]} {
    %mul3A = arith.constant 16 : i32
    %mul3A_0 = arith.muli %arg0, %mul3A : i32
    %add3A = arith.addi %mul3A_0, %arg1 : i32
    %broadcast_in_dim3A = arith.constant 0.000000e+00 : f32
    %broadcast_in_dim3A_1 = vector.broadcast %broadcast_in_dim3A : f32 to vector<16xf32>
    %scan3A = arith.constant 0 : i32
    %scan3A_2 = arith.constant 0 : i32
    %scan3A_3 = arith.constant 128 : i32
    %scan3A_4 = arith.addi %scan3A_2, %scan3A_3 : i32
    %scan3A_5 = arith.constant 1 : i32
    %scan3A_6 = scf.for %scan3A_84 = %scan3A_2 to %scan3A_4 step %scan3A_5 iter_args(%scan3A_85 = %scan3A) -> (i32)  : i32 {
      %swap3A = arith.index_cast %scan3A_84 : i32 to index
      %swap3A_86 = arith.constant 0 : index
      %swap3A_87 = tpu.vector_load %arg12[%swap3A, %swap3A_86] {strides = array<i32>} : memref<128x128xf32, #tpu.memory_space<vmem>>, vector<1x16xf32>,
      %swap3A_88 = vector.shape_cast %swap3A_87 : vector<1x16xf32> to vector<16xf32>
      %swap3A_89 = vector.shape_cast %broadcast_in_dim3A_1 : vector<16xf32> to vector<1x16xf32>
      tpu.vector_store %arg12[%swap3A, %swap3A_86], %swap3A_89 {strides = array<i32>} : memref<128x128xf32, #tpu.memory_space<vmem>>, vector<1x16xf32>,
      %swap3A_90 = arith.index_cast %scan3A_84 : i32 to index
      %swap3A_91 = arith.constant 16 : index
      %swap3A_92 = tpu.vector_load %arg12[%swap3A_90, %swap3A_91] {strides = array<i32>} : memref<128x128xf32, #tpu.memory_space<vmem>>, vector<1x16xf32>,
      %swap3A_93 = vector.shape_cast %swap3A_92 : vector<1x16xf32> to vector<16xf32>
      %swap3A_94 = vector.shape_cast %broadcast_in_dim3A_1 : vector<16xf32> to vector<1x16xf32>
      tpu.vector_store %arg12[%swap3A_90, %swap3A_91], %swap3A_94 {strides = array<i32>} : memref<128x128xf32, #tpu.memory_space<vmem>>, vector<1x16xf32>,
      %swap3A_95 = arith.index_cast %scan3A_84 : i32 to index
      %swap3A_96 = arith.constant 32 : index
      %swap3A_97 = tpu.vector_load %arg12[%swap3A_95, %swap3A_96] {strides = array<i32>} : memref<128x128xf32, #tpu.memory_space<vmem>>, vector<1x16xf32>,
      %swap3A_98 = vector.shape_cast %swap3A_97 : vector<1x16xf32> to vector<16xf32>
      %swap3A_99 = vector.shape_cast %broadcast_in_dim3A_1 : vector<16xf32> to vector<1x16xf32>
      tpu.vector_store %arg12[%swap3A_95, %swap3A_96], %swap3A_99 {strides = array<i32>} : memref<128x128xf32, #tpu.memory_space<vmem>>, vector<1x16xf32>,
      %swap3A_100 = arith.index_cast %scan3A_84 : i32 to index
      %swap3A_101 = arith.constant 48 : index
      %swap3A_102 = tpu.vector_load %arg12[%swap3A_100, %swap3A_101] {strides = array<i32>} : memref<128x128xf32, #tpu.memory_space<vmem>>, vector<1x16xf32>,
      %swap3A_103 = vector.shape_cast %swap3A_102 : vector<1x16xf32> to vector<16xf32>
      %swap3A_104 = vector.shape_cast %broadcast_in_dim3A_1 : vector<16xf32> to vector<1x16xf32>
      tpu.vector_store %arg12[%swap3A_100, %swap3A_101], %swap3A_104 {strides = array<i32>} : memref<128x128xf32, #tpu.memory_space<vmem>>, vector<1x16xf32>,
      %swap3A_105 = arith.index_cast %scan3A_84 : i32 to index
      %swap3A_106 = arith.constant 64 : index
      %swap3A_107 = tpu.vector_load %arg12[%swap3A_105, %swap3A_106] {strides = array<i32>} : memref<128x128xf32, #tpu.memory_space<vmem>>, vector<1x16xf32>,
      %swap3A_108 = vector.shape_cast %swap3A_107 : vector<1x16xf32> to vector<16xf32>
      %swap3A_109 = vector.shape_cast %broadcast_in_dim3A_1 : vector<16xf32> to vector<1x16xf32>
      tpu.vector_store %arg12[%swap3A_105, %swap3A_106], %swap3A_109 {strides = array<i32>} : memref<128x128xf32, #tpu.memory_space<vmem>>, vector<1x16xf32>,
      %swap3A_110 = arith.index_cast %scan3A_84 : i32 to index
      %swap3A_111 = arith.constant 80 : index
      %swap3A_112 = tpu.vector_load %arg12[%swap3A_110, %swap3A_111] {strides = array<i32>} : memref<128x128xf32, #tpu.memory_space<vmem>>, vector<1x16xf32>,
      %swap3A_113 = vector.shape_cast %swap3A_112 : vector<1x16xf32> to vector<16xf32>
      %swap3A_114 = vector.shape_cast %broadcast_in_dim3A_1 : vector<16xf32> to vector<1x16xf32>
      tpu.vector_store %arg12[%swap3A_110, %swap3A_111], %swap3A_114 {strides = array<i32>} : memref<128x128xf32, #tpu.memory_space<vmem>>, vector<1x16xf32>,
      %swap3A_115 = arith.index_cast %scan3A_84 : i32 to index
      %swap3A_116 = arith.constant 96 : index
      %swap3A_117 = tpu.vector_load %arg12[%swap3A_115, %swap3A_116] {strides = array<i32>} : memref<128x128xf32, #tpu.memory_space<vmem>>, vector<1x16xf32>,
      %swap3A_118 = vector.shape_cast %swap3A_117 : vector<1x16xf32> to vector<16xf32>
      %swap3A_119 = vector.shape_cast %broadcast_in_dim3A_1 : vector<16xf32> to vector<1x16xf32>
      tpu.vector_store %arg12[%swap3A_115, %swap3A_116], %swap3A_119 {strides = array<i32>} : memref<128x128xf32, #tpu.memory_space<vmem>>, vector<1x16xf32>,
      %swap3A_120 = arith.index_cast %scan3A_84 : i32 to index
      %swap3A_121 = arith.constant 112 : index
      %swap3A_122 = tpu.vector_load %arg12[%swap3A_120, %swap3A_121] {strides = array<i32>} : memref<128x128xf32, #tpu.memory_space<vmem>>, vector<1x16xf32>,
      %swap3A_123 = vector.shape_cast %swap3A_122 : vector<1x16xf32> to vector<16xf32>
      %swap3A_124 = vector.shape_cast %broadcast_in_dim3A_1 : vector<16xf32> to vector<1x16xf32>
      tpu.vector_store %arg12[%swap3A_120, %swap3A_121], %swap3A_124 {strides = array<i32>} : memref<128x128xf32, #tpu.memory_space<vmem>>, vector<1x16xf32>,
      %scan3A_125 = arith.constant 0 : i32
      scf.yield %scan3A_125 : i32
    }
    %scan3A_7 = arith.constant 128 : i32
    %mul3A_8 = arith.constant 640 : i32
    %mul3A_9 = arith.muli %arg1, %mul3A_8 : i32
    %add3A_10 = arith.constant 0 : i32
    %add3A_11 = arith.addi %mul3A_9, %add3A_10 : i32
    "tpu.region"() ({
      %run_scoped3A = tpu.sem_alloc : memref<!tpu.dma_semaphore, #tpu.memory_space<semaphore_mem>>
      %dma_start3A_84 = arith.constant 0 : i32
      %dma_start3A_85 = tpu.memref_slice %arg13[%add3A_11, %dma_start3A_84] : memref<10240x128xf32, #tpu.memory_space<vmem_shared>> -> memref<128x128xf32, #tpu.memory_space<vmem_shared>>
      %dma_start3A_86 = arith.constant 0 : i32
      %dma_start3A_87 = tpu.memref_slice %arg13[%add3A_11, %dma_start3A_86] : memref<10240x128xf32, #tpu.memory_space<vmem_shared>> -> memref<128x128xf32, #tpu.memory_space<vmem_shared>>
      tpu.enqueue_dma source(%arg12 : memref<128x128xf32, #tpu.memory_space<vmem>>) target(%dma_start3A_87 : memref<128x128xf32, #tpu.memory_space<vmem_shared>>) target_semaphore(%run_scoped3A : memref<!tpu.dma_semaphore, #tpu.memory_space<semaphore_mem>>)
      %dma_wait3A_88 = arith.constant 0 : i32
      %dma_wait3A_89 = tpu.memref_slice %arg13[%add3A_11, %dma_wait3A_88] : memref<10240x128xf32, #tpu.memory_space<vmem_shared>> -> memref<128x128xf32, #tpu.memory_space<vmem_shared>>
      %dma_wait3A_90 = arith.constant 0 : i32
      %dma_wait3A_91 = tpu.memref_slice %arg13[%add3A_11, %dma_wait3A_90] : memref<10240x128xf32, #tpu.memory_space<vmem_shared>> -> memref<128x128xf32, #tpu.memory_space<vmem_shared>>
      tpu.wait_dma2 semaphore(%run_scoped3A : memref<!tpu.dma_semaphore, #tpu.memory_space<semaphore_mem>>) src(%arg12 : memref<128x128xf32, #tpu.memory_space<vmem>>) dst(%dma_wait3A_91 : memref<128x128xf32, #tpu.memory_space<vmem_shared>>)
      tpu.yield
    }) : () -> ()
    %mul3A_12 = arith.constant 640 : i32
    %mul3A_13 = arith.muli %arg1, %mul3A_12 : i32
    %add3A_14 = arith.constant 128 : i32
    %add3A_15 = arith.addi %mul3A_13, %add3A_14 : i32
    "tpu.region"() ({
      %run_scoped3A = tpu.sem_alloc : memref<!tpu.dma_semaphore, #tpu.memory_space<semaphore_mem>>
      %dma_start3A_84 = arith.constant 0 : i32
      %dma_start3A_85 = tpu.memref_slice %arg13[%add3A_15, %dma_start3A_84] : memref<10240x128xf32, #tpu.memory_space<vmem_shared>> -> memref<128x128xf32, #tpu.memory_space<vmem_shared>>
      %dma_start3A_86 = arith.constant 0 : i32
      %dma_start3A_87 = tpu.memref_slice %arg13[%add3A_15, %dma_start3A_86] : memref<10240x128xf32, #tpu.memory_space<vmem_shared>> -> memref<128x128xf32, #tpu.memory_space<vmem_shared>>
      tpu.enqueue_dma source(%arg12 : memref<128x128xf32, #tpu.memory_space<vmem>>) target(%dma_start3A_87 : memref<128x128xf32, #tpu.memory_space<vmem_shared>>) target_semaphore(%run_scoped3A : memref<!tpu.dma_semaphore, #tpu.memory_space<semaphore_mem>>)
      %dma_wait3A_88 = arith.constant 0 : i32
      %dma_wait3A_89 = tpu.memref_slice %arg13[%add3A_15, %dma_wait3A_88] : memref<10240x128xf32, #tpu.memory_space<vmem_shared>> -> memref<128x128xf32, #tpu.memory_space<vmem_shared>>
      %dma_wait3A_90 = arith.constant 0 : i32
      %dma_wait3A_91 = tpu.memref_slice %arg13[%add3A_15, %dma_wait3A_90] : memref<10240x128xf32, #tpu.memory_space<vmem_shared>> -> memref<128x128xf32, #tpu.memory_space<vmem_shared>>
      tpu.wait_dma2 semaphore(%run_scoped3A : memref<!tpu.dma_semaphore, #tpu.memory_space<semaphore_mem>>) src(%arg12 : memref<128x128xf32, #tpu.memory_space<vmem>>) dst(%dma_wait3A_91 : memref<128x128xf32, #tpu.memory_space<vmem_shared>>)
      tpu.yield
    }) : () -> ()
    %mul3A_16 = arith.constant 640 : i32
    %mul3A_17 = arith.muli %arg1, %mul3A_16 : i32
    %add3A_18 = arith.constant 256 : i32
    %add3A_19 = arith.addi %mul3A_17, %add3A_18 : i32
    "tpu.region"() ({
      %run_scoped3A = tpu.sem_alloc : memref<!tpu.dma_semaphore, #tpu.memory_space<semaphore_mem>>
      %dma_start3A_84 = arith.constant 0 : i32
      %dma_start3A_85 = tpu.memref_slice %arg13[%add3A_19, %dma_start3A_84] : memref<10240x128xf32, #tpu.memory_space<vmem_shared>> -> memref<128x128xf32, #tpu.memory_space<vmem_shared>>
      %dma_start3A_86 = arith.constant 0 : i32
      %dma_start3A_87 = tpu.memref_slice %arg13[%add3A_19, %dma_start3A_86] : memref<10240x128xf32, #tpu.memory_space<vmem_shared>> -> memref<128x128xf32, #tpu.memory_space<vmem_shared>>
      tpu.enqueue_dma source(%arg12 : memref<128x128xf32, #tpu.memory_space<vmem>>) target(%dma_start3A_87 : memref<128x128xf32, #tpu.memory_space<vmem_shared>>) target_semaphore(%run_scoped3A : memref<!tpu.dma_semaphore, #tpu.memory_space<semaphore_mem>>)
      %dma_wait3A_88 = arith.constant 0 : i32
      %dma_wait3A_89 = tpu.memref_slice %arg13[%add3A_19, %dma_wait3A_88] : memref<10240x128xf32, #tpu.memory_space<vmem_shared>> -> memref<128x128xf32, #tpu.memory_space<vmem_shared>>
      %dma_wait3A_90 = arith.constant 0 : i32
      %dma_wait3A_91 = tpu.memref_slice %arg13[%add3A_19, %dma_wait3A_90] : memref<10240x128xf32, #tpu.memory_space<vmem_shared>> -> memref<128x128xf32, #tpu.memory_space<vmem_shared>>
      tpu.wait_dma2 semaphore(%run_scoped3A : memref<!tpu.dma_semaphore, #tpu.memory_space<semaphore_mem>>) src(%arg12 : memref<128x128xf32, #tpu.memory_space<vmem>>) dst(%dma_wait3A_91 : memref<128x128xf32, #tpu.memory_space<vmem_shared>>)
      tpu.yield
    }) : () -> ()
    %mul3A_20 = arith.constant 640 : i32
    %mul3A_21 = arith.muli %arg1, %mul3A_20 : i32
    %add3A_22 = arith.constant 384 : i32
    %add3A_23 = arith.addi %mul3A_21, %add3A_22 : i32
    "tpu.region"() ({
      %run_scoped3A = tpu.sem_alloc : memref<!tpu.dma_semaphore, #tpu.memory_space<semaphore_mem>>
      %dma_start3A_84 = arith.constant 0 : i32
      %dma_start3A_85 = tpu.memref_slice %arg13[%add3A_23, %dma_start3A_84] : memref<10240x128xf32, #tpu.memory_space<vmem_shared>> -> memref<128x128xf32, #tpu.memory_space<vmem_shared>>
      %dma_start3A_86 = arith.constant 0 : i32
      %dma_start3A_87 = tpu.memref_slice %arg13[%add3A_23, %dma_start3A_86] : memref<10240x128xf32, #tpu.memory_space<vmem_shared>> -> memref<128x128xf32, #tpu.memory_space<vmem_shared>>
      tpu.enqueue_dma source(%arg12 : memref<128x128xf32, #tpu.memory_space<vmem>>) target(%dma_start3A_87 : memref<128x128xf32, #tpu.memory_space<vmem_shared>>) target_semaphore(%run_scoped3A : memref<!tpu.dma_semaphore, #tpu.memory_space<semaphore_mem>>)
      %dma_wait3A_88 = arith.constant 0 : i32
      %dma_wait3A_89 = tpu.memref_slice %arg13[%add3A_23, %dma_wait3A_88] : memref<10240x128xf32, #tpu.memory_space<vmem_shared>> -> memref<128x128xf32, #tpu.memory_space<vmem_shared>>
      %dma_wait3A_90 = arith.constant 0 : i32
      %dma_wait3A_91 = tpu.memref_slice %arg13[%add3A_23, %dma_wait3A_90] : memref<10240x128xf32, #tpu.memory_space<vmem_shared>> -> memref<128x128xf32, #tpu.memory_space<vmem_shared>>
      tpu.wait_dma2 semaphore(%run_scoped3A : memref<!tpu.dma_semaphore, #tpu.memory_space<semaphore_mem>>) src(%arg12 : memref<128x128xf32, #tpu.memory_space<vmem>>) dst(%dma_wait3A_91 : memref<128x128xf32, #tpu.memory_space<vmem_shared>>)
      tpu.yield
    }) : () -> ()
    %mul3A_24 = arith.constant 640 : i32
    %mul3A_25 = arith.muli %arg1, %mul3A_24 : i32
    %add3A_26 = arith.constant 512 : i32
    %add3A_27 = arith.addi %mul3A_25, %add3A_26 : i32
    "tpu.region"() ({
      %run_scoped3A = tpu.sem_alloc : memref<!tpu.dma_semaphore, #tpu.memory_space<semaphore_mem>>
      %dma_start3A_84 = arith.constant 0 : i32
      %dma_start3A_85 = tpu.memref_slice %arg13[%add3A_27, %dma_start3A_84] : memref<10240x128xf32, #tpu.memory_space<vmem_shared>> -> memref<128x128xf32, #tpu.memory_space<vmem_shared>>
      %dma_start3A_86 = arith.constant 0 : i32
      %dma_start3A_87 = tpu.memref_slice %arg13[%add3A_27, %dma_start3A_86] : memref<10240x128xf32, #tpu.memory_space<vmem_shared>> -> memref<128x128xf32, #tpu.memory_space<vmem_shared>>
      tpu.enqueue_dma source(%arg12 : memref<128x128xf32, #tpu.memory_space<vmem>>) target(%dma_start3A_87 : memref<128x128xf32, #tpu.memory_space<vmem_shared>>) target_semaphore(%run_scoped3A : memref<!tpu.dma_semaphore, #tpu.memory_space<semaphore_mem>>)
      %dma_wait3A_88 = arith.constant 0 : i32
      %dma_wait3A_89 = tpu.memref_slice %arg13[%add3A_27, %dma_wait3A_88] : memref<10240x128xf32, #tpu.memory_space<vmem_shared>> -> memref<128x128xf32, #tpu.memory_space<vmem_shared>>
      %dma_wait3A_90 = arith.constant 0 : i32
      %dma_wait3A_91 = tpu.memref_slice %arg13[%add3A_27, %dma_wait3A_90] : memref<10240x128xf32, #tpu.memory_space<vmem_shared>> -> memref<128x128xf32, #tpu.memory_space<vmem_shared>>
      tpu.wait_dma2 semaphore(%run_scoped3A : memref<!tpu.dma_semaphore, #tpu.memory_space<semaphore_mem>>) src(%arg12 : memref<128x128xf32, #tpu.memory_space<vmem>>) dst(%dma_wait3A_91 : memref<128x128xf32, #tpu.memory_space<vmem_shared>>)
      tpu.yield
    }) : () -> ()
    %barrier3A = arith.constant 0 : index
    tpu.barrier barrier_id(%barrier3A)
    %mul3A_28 = arith.constant 10112 : i32
    %mul3A_29 = arith.muli %add3A, %mul3A_28 : i32
    %min3A = arith.constant 0 : i32
    %min3A_30 = arith.constant 78 : i32
    %min3A_31 = arith.minsi %min3A, %min3A_30 : i32
    %mul3A_32 = arith.constant 128 : i32
    %mul3A_33 = arith.muli %min3A_31, %mul3A_32 : i32
    %add3A_34 = arith.addi %mul3A_29, %mul3A_33 : i32
    %dma_start3A = tpu.memref_slice %arg3[%add3A_34] : memref<323584xi32, #tpu.memory_space<hbm>> -> memref<128xi32, #tpu.memory_space<hbm>>
    %dma_start3A_35 = tpu.memref_slice %arg3[%add3A_34] : memref<323584xi32, #tpu.memory_space<hbm>> -> memref<128xi32, #tpu.memory_space<hbm>>
    tpu.enqueue_dma source(%dma_start3A_35 : memref<128xi32, #tpu.memory_space<hbm>>) target(%arg6 : memref<128xi32, #tpu.memory_space<vmem>>) target_semaphore(%arg15 : memref<!tpu.dma_semaphore, #tpu.memory_space<semaphore_mem>>)
    %dma_start3A_36 = tpu.memref_slice %arg4[%add3A_34] : memref<323584xi32, #tpu.memory_space<hbm>> -> memref<128xi32, #tpu.memory_space<hbm>>
    %dma_start3A_37 = tpu.memref_slice %arg4[%add3A_34] : memref<323584xi32, #tpu.memory_space<hbm>> -> memref<128xi32, #tpu.memory_space<hbm>>
    tpu.enqueue_dma source(%dma_start3A_37 : memref<128xi32, #tpu.memory_space<hbm>>) target(%arg7 : memref<128xi32, #tpu.memory_space<vmem>>) target_semaphore(%arg15 : memref<!tpu.dma_semaphore, #tpu.memory_space<semaphore_mem>>)
    %dma_wait3A = arith.constant 0 : i32
    %dma_wait3A_38 = tpu.memref_slice %arg3[%dma_wait3A] : memref<323584xi32, #tpu.memory_space<hbm>> -> memref<128xi32, #tpu.memory_space<hbm>>
    %dma_wait3A_39 = arith.constant 0 : i32
    %dma_wait3A_40 = tpu.memref_slice %arg3[%dma_wait3A_39] : memref<323584xi32, #tpu.memory_space<hbm>> -> memref<128xi32, #tpu.memory_space<hbm>>
    tpu.wait_dma2 semaphore(%arg15 : memref<!tpu.dma_semaphore, #tpu.memory_space<semaphore_mem>>) src(%dma_wait3A_40 : memref<128xi32, #tpu.memory_space<hbm>>) dst(%arg6 : memref<128xi32, #tpu.memory_space<vmem>>)
    %dma_wait3A_41 = arith.constant 0 : i32
    %dma_wait3A_42 = tpu.memref_slice %arg4[%dma_wait3A_41] : memref<323584xi32, #tpu.memory_space<hbm>> -> memref<128xi32, #tpu.memory_space<hbm>>
    %dma_wait3A_43 = arith.constant 0 : i32
    %dma_wait3A_44 = tpu.memref_slice %arg4[%dma_wait3A_43] : memref<323584xi32, #tpu.memory_space<hbm>> -> memref<128xi32, #tpu.memory_space<hbm>>
    tpu.wait_dma2 semaphore(%arg15 : memref<!tpu.dma_semaphore, #tpu.memory_space<semaphore_mem>>) src(%dma_wait3A_44 : memref<128xi32, #tpu.memory_space<hbm>>) dst(%arg7 : memref<128xi32, #tpu.memory_space<vmem>>)
    %min3A_45 = arith.constant 1 : i32
    %min3A_46 = arith.constant 78 : i32
    %min3A_47 = arith.minsi %min3A_45, %min3A_46 : i32
    %mul3A_48 = arith.constant 128 : i32
    %mul3A_49 = arith.muli %min3A_47, %mul3A_48 : i32
    %add3A_50 = arith.addi %mul3A_29, %mul3A_49 : i32
    %dma_start3A_51 = tpu.memref_slice %arg3[%add3A_50] : memref<323584xi32, #tpu.memory_space<hbm>> -> memref<128xi32, #tpu.memory_space<hbm>>
    %dma_start3A_52 = tpu.memref_slice %arg3[%add3A_50] : memref<323584xi32, #tpu.memory_space<hbm>> -> memref<128xi32, #tpu.memory_space<hbm>>
    tpu.enqueue_dma source(%dma_start3A_52 : memref<128xi32, #tpu.memory_space<hbm>>) target(%arg8 : memref<128xi32, #tpu.memory_space<vmem>>) target_semaphore(%arg16 : memref<!tpu.dma_semaphore, #tpu.memory_space<semaphore_mem>>)
    %dma_start3A_53 = tpu.memref_slice %arg4[%add3A_50] : memref<323584xi32, #tpu.memory_space<hbm>> -> memref<128xi32, #tpu.memory_space<hbm>>
    %dma_start3A_54 = tpu.memref_slice %arg4[%add3A_50] : memref<323584xi32, #tpu.memory_space<hbm>> -> memref<128xi32, #tpu.memory_space<hbm>>
    tpu.enqueue_dma source(%dma_start3A_54 : memref<128xi32, #tpu.memory_space<hbm>>) target(%arg9 : memref<128xi32, #tpu.memory_space<vmem>>) target_semaphore(%arg16 : memref<!tpu.dma_semaphore, #tpu.memory_space<semaphore_mem>>)
    %dma_wait3A_55 = arith.constant 0 : i32
    %dma_wait3A_56 = tpu.memref_slice %arg3[%dma_wait3A_55] : memref<323584xi32, #tpu.memory_space<hbm>> -> memref<128xi32, #tpu.memory_space<hbm>>
    %dma_wait3A_57 = arith.constant 0 : i32
    %dma_wait3A_58 = tpu.memref_slice %arg3[%dma_wait3A_57] : memref<323584xi32, #tpu.memory_space<hbm>> -> memref<128xi32, #tpu.memory_space<hbm>>
    tpu.wait_dma2 semaphore(%arg16 : memref<!tpu.dma_semaphore, #tpu.memory_space<semaphore_mem>>) src(%dma_wait3A_58 : memref<128xi32, #tpu.memory_space<hbm>>) dst(%arg8 : memref<128xi32, #tpu.memory_space<vmem>>)
    %dma_wait3A_59 = arith.constant 0 : i32
    %dma_wait3A_60 = tpu.memref_slice %arg4[%dma_wait3A_59] : memref<323584xi32, #tpu.memory_space<hbm>> -> memref<128xi32, #tpu.memory_space<hbm>>
    %dma_wait3A_61 = arith.constant 0 : i32
    %dma_wait3A_62 = tpu.memref_slice %arg4[%dma_wait3A_61] : memref<323584xi32, #tpu.memory_space<hbm>> -> memref<128xi32, #tpu.memory_space<hbm>>
    tpu.wait_dma2 semaphore(%arg16 : memref<!tpu.dma_semaphore, #tpu.memory_space<semaphore_mem>>) src(%dma_wait3A_62 : memref<128xi32, #tpu.memory_space<hbm>>) dst(%arg9 : memref<128xi32, #tpu.memory_space<vmem>>)
    %scan3A_63 = arith.constant 0 : i32
    %scan3A_64 = arith.constant 0 : i32
    %scan3A_65 = arith.constant 26 : i32
    %scan3A_66 = arith.addi %scan3A_64, %scan3A_65 : i32
    %scan3A_67 = arith.constant 1 : i32
    %scan3A_68 = scf.for %scan3A_84 = %scan3A_64 to %scan3A_66 step %scan3A_67 iter_args(%scan3A_85 = %scan3A_63) -> (i32)  : i32 {
      %mul3A_86 = arith.constant 3 : i32
      %mul3A_87 = arith.muli %scan3A_84, %mul3A_86 : i32
      %dma_start3A_88 = arith.constant 0 : i32
      %dma_start3A_89 = arith.constant 0 : i32
      %dma_start3A_90 = tpu.memref_slice %arg2[%dma_start3A_88, %dma_start3A_89] : memref<10240x128xf32, #tpu.memory_space<hbm>> -> memref<10240x128xf32, #tpu.memory_space<hbm>>
      tpu.enqueue_indirect_dma source(%dma_start3A_90 : memref<10240x128xf32, #tpu.memory_space<hbm>>) target(%arg12 : memref<128x128xf32, #tpu.memory_space<vmem>>) offsets(%arg6 : memref<128xi32, #tpu.memory_space<vmem>>) semaphore(%arg14 : memref<!tpu.dma_semaphore, #tpu.memory_space<semaphore_mem>>)
      %dma_wait3A_91 = arith.constant 0 : i32
      %dma_wait3A_92 = arith.constant 0 : i32
      %dma_wait3A_93 = tpu.memref_slice %arg2[%dma_wait3A_91, %dma_wait3A_92] : memref<10240x128xf32, #tpu.memory_space<hbm>> -> memref<10240x128xf32, #tpu.memory_space<hbm>>
      tpu.wait_indirect_dma semaphore(%arg14 : memref<!tpu.dma_semaphore, #tpu.memory_space<semaphore_mem>>) src(%dma_wait3A_93 : memref<10240x128xf32, #tpu.memory_space<hbm>>) dst(%arg12 : memref<128x128xf32, #tpu.memory_space<vmem>>)
      %add3A_94 = arith.constant 2 : i32
      %add3A_95 = arith.addi %mul3A_87, %add3A_94 : i32
      %min3A_96 = arith.constant 78 : i32
      %min3A_97 = arith.minsi %add3A_95, %min3A_96 : i32
      %mul3A_98 = arith.constant 128 : i32
      %mul3A_99 = arith.muli %min3A_97, %mul3A_98 : i32
      %add3A_100 = arith.addi %mul3A_29, %mul3A_99 : i32
      %dma_start3A_101 = tpu.memref_slice %arg3[%add3A_100] : memref<323584xi32, #tpu.memory_space<hbm>> -> memref<128xi32, #tpu.memory_space<hbm>>
      %dma_start3A_102 = tpu.memref_slice %arg3[%add3A_100] : memref<323584xi32, #tpu.memory_space<hbm>> -> memref<128xi32, #tpu.memory_space<hbm>>
      tpu.enqueue_dma source(%dma_start3A_102 : memref<128xi32, #tpu.memory_space<hbm>>) target(%arg10 : memref<128xi32, #tpu.memory_space<vmem>>) target_semaphore(%arg17 : memref<!tpu.dma_semaphore, #tpu.memory_space<semaphore_mem>>)
      %dma_start3A_103 = tpu.memref_slice %arg4[%add3A_100] : memref<323584xi32, #tpu.memory_space<hbm>> -> memref<128xi32, #tpu.memory_space<hbm>>
      %dma_start3A_104 = tpu.memref_slice %arg4[%add3A_100] : memref<323584xi32, #tpu.memory_space<hbm>> -> memref<128xi32, #tpu.memory_space<hbm>>
      tpu.enqueue_dma source(%dma_start3A_104 : memref<128xi32, #tpu.memory_space<hbm>>) target(%arg11 : memref<128xi32, #tpu.memory_space<vmem>>) target_semaphore(%arg17 : memref<!tpu.dma_semaphore, #tpu.memory_space<semaphore_mem>>)
      "tpu.region"() ({
        %run_scoped3A = tpu.sem_alloc : memref<!tpu.dma_semaphore, #tpu.memory_space<semaphore_mem>>
        %dma_start3A_168 = arith.constant 0 : i32
        %dma_start3A_169 = arith.constant 0 : i32
        %dma_start3A_170 = tpu.memref_slice %arg13[%dma_start3A_168, %dma_start3A_169] : memref<10240x128xf32, #tpu.memory_space<vmem_shared>> -> memref<10240x128xf32, #tpu.memory_space<vmem_shared>>
        tpu.enqueue_indirect_dma source(%arg12 : memref<128x128xf32, #tpu.memory_space<vmem>>) target(%dma_start3A_170 : memref<10240x128xf32, #tpu.memory_space<vmem_shared>>) offsets(%arg7 : memref<128xi32, #tpu.memory_space<vmem>>) semaphore(%run_scoped3A : memref<!tpu.dma_semaphore, #tpu.memory_space<semaphore_mem>>) {add = true}
        %dma_wait3A_171 = arith.constant 0 : i32
        %dma_wait3A_172 = arith.constant 0 : i32
        %dma_wait3A_173 = tpu.memref_slice %arg13[%dma_wait3A_171, %dma_wait3A_172] : memref<10240x128xf32, #tpu.memory_space<vmem_shared>> -> memref<10240x128xf32, #tpu.memory_space<vmem_shared>>
        tpu.wait_indirect_dma semaphore(%run_scoped3A : memref<!tpu.dma_semaphore, #tpu.memory_space<semaphore_mem>>) src(%arg12 : memref<128x128xf32, #tpu.memory_space<vmem>>) dst(%dma_wait3A_173 : memref<10240x128xf32, #tpu.memory_space<vmem_shared>>)
        tpu.yield
      }) : () -> ()
      %dma_wait3A_105 = arith.constant 0 : i32
      %dma_wait3A_106 = tpu.memref_slice %arg3[%dma_wait3A_105] : memref<323584xi32, #tpu.memory_space<hbm>> -> memref<128xi32, #tpu.memory_space<hbm>>
      %dma_wait3A_107 = arith.constant 0 : i32
      %dma_wait3A_108 = tpu.memref_slice %arg3[%dma_wait3A_107] : memref<323584xi32, #tpu.memory_space<hbm>> -> memref<128xi32, #tpu.memory_space<hbm>>
      tpu.wait_dma2 semaphore(%arg17 : memref<!tpu.dma_semaphore, #tpu.memory_space<semaphore_mem>>) src(%dma_wait3A_108 : memref<128xi32, #tpu.memory_space<hbm>>) dst(%arg10 : memref<128xi32, #tpu.memory_space<vmem>>)
      %dma_wait3A_109 = arith.constant 0 : i32
      %dma_wait3A_110 = tpu.memref_slice %arg4[%dma_wait3A_109] : memref<323584xi32, #tpu.memory_space<hbm>> -> memref<128xi32, #tpu.memory_space<hbm>>
      %dma_wait3A_111 = arith.constant 0 : i32
      %dma_wait3A_112 = tpu.memref_slice %arg4[%dma_wait3A_111] : memref<323584xi32, #tpu.memory_space<hbm>> -> memref<128xi32, #tpu.memory_space<hbm>>
      tpu.wait_dma2 semaphore(%arg17 : memref<!tpu.dma_semaphore, #tpu.memory_space<semaphore_mem>>) src(%dma_wait3A_112 : memref<128xi32, #tpu.memory_space<hbm>>) dst(%arg11 : memref<128xi32, #tpu.memory_space<vmem>>)
      %add3A_113 = arith.constant 1 : i32
      %add3A_114 = arith.addi %mul3A_87, %add3A_113 : i32
      %dma_start3A_115 = arith.constant 0 : i32
      %dma_start3A_116 = arith.constant 0 : i32
      %dma_start3A_117 = tpu.memref_slice %arg2[%dma_start3A_115, %dma_start3A_116] : memref<10240x128xf32, #tpu.memory_space<hbm>> -> memref<10240x128xf32, #tpu.memory_space<hbm>>
      tpu.enqueue_indirect_dma source(%dma_start3A_117 : memref<10240x128xf32, #tpu.memory_space<hbm>>) target(%arg12 : memref<128x128xf32, #tpu.memory_space<vmem>>) offsets(%arg8 : memref<128xi32, #tpu.memory_space<vmem>>) semaphore(%arg14 : memref<!tpu.dma_semaphore, #tpu.memory_space<semaphore_mem>>)
      %dma_wait3A_118 = arith.constant 0 : i32
      %dma_wait3A_119 = arith.constant 0 : i32
      %dma_wait3A_120 = tpu.memref_slice %arg2[%dma_wait3A_118, %dma_wait3A_119] : memref<10240x128xf32, #tpu.memory_space<hbm>> -> memref<10240x128xf32, #tpu.memory_space<hbm>>
      tpu.wait_indirect_dma semaphore(%arg14 : memref<!tpu.dma_semaphore, #tpu.memory_space<semaphore_mem>>) src(%dma_wait3A_120 : memref<10240x128xf32, #tpu.memory_space<hbm>>) dst(%arg12 : memref<128x128xf32, #tpu.memory_space<vmem>>)
      %add3A_121 = arith.constant 2 : i32
      %add3A_122 = arith.addi %add3A_114, %add3A_121 : i32
      %min3A_123 = arith.constant 78 : i32
      %min3A_124 = arith.minsi %add3A_122, %min3A_123 : i32
      %mul3A_125 = arith.constant 128 : i32
      %mul3A_126 = arith.muli %min3A_124, %mul3A_125 : i32
      %add3A_127 = arith.addi %mul3A_29, %mul3A_126 : i32
      %dma_start3A_128 = tpu.memref_slice %arg3[%add3A_127] : memref<323584xi32, #tpu.memory_space<hbm>> -> memref<128xi32, #tpu.memory_space<hbm>>
      %dma_start3A_129 = tpu.memref_slice %arg3[%add3A_127] : memref<323584xi32, #tpu.memory_space<hbm>> -> memref<128xi32, #tpu.memory_space<hbm>>
      tpu.enqueue_dma source(%dma_start3A_129 : memref<128xi32, #tpu.memory_space<hbm>>) target(%arg6 : memref<128xi32, #tpu.memory_space<vmem>>) target_semaphore(%arg15 : memref<!tpu.dma_semaphore, #tpu.memory_space<semaphore_mem>>)
      %dma_start3A_130 = tpu.memref_slice %arg4[%add3A_127] : memref<323584xi32, #tpu.memory_space<hbm>> -> memref<128xi32, #tpu.memory_space<hbm>>
      %dma_start3A_131 = tpu.memref_slice %arg4[%add3A_127] : memref<323584xi32, #tpu.memory_space<hbm>> -> memref<128xi32, #tpu.memory_space<hbm>>
      tpu.enqueue_dma source(%dma_start3A_131 : memref<128xi32, #tpu.memory_space<hbm>>) target(%arg7 : memref<128xi32, #tpu.memory_space<vmem>>) target_semaphore(%arg15 : memref<!tpu.dma_semaphore, #tpu.memory_space<semaphore_mem>>)
      "tpu.region"() ({
        %run_scoped3A = tpu.sem_alloc : memref<!tpu.dma_semaphore, #tpu.memory_space<semaphore_mem>>
        %dma_start3A_168 = arith.constant 0 : i32
        %dma_start3A_169 = arith.constant 0 : i32
        %dma_start3A_170 = tpu.memref_slice %arg13[%dma_start3A_168, %dma_start3A_169] : memref<10240x128xf32, #tpu.memory_space<vmem_shared>> -> memref<10240x128xf32, #tpu.memory_space<vmem_shared>>
        tpu.enqueue_indirect_dma source(%arg12 : memref<128x128xf32, #tpu.memory_space<vmem>>) target(%dma_start3A_170 : memref<10240x128xf32, #tpu.memory_space<vmem_shared>>) offsets(%arg9 : memref<128xi32, #tpu.memory_space<vmem>>) semaphore(%run_scoped3A : memref<!tpu.dma_semaphore, #tpu.memory_space<semaphore_mem>>) {add = true}
        %dma_wait3A_171 = arith.constant 0 : i32
        %dma_wait3A_172 = arith.constant 0 : i32
        %dma_wait3A_173 = tpu.memref_slice %arg13[%dma_wait3A_171, %dma_wait3A_172] : memref<10240x128xf32, #tpu.memory_space<vmem_shared>> -> memref<10240x128xf32, #tpu.memory_space<vmem_shared>>
        tpu.wait_indirect_dma semaphore(%run_scoped3A : memref<!tpu.dma_semaphore, #tpu.memory_space<semaphore_mem>>) src(%arg12 : memref<128x128xf32, #tpu.memory_space<vmem>>) dst(%dma_wait3A_173 : memref<10240x128xf32, #tpu.memory_space<vmem_shared>>)
        tpu.yield
      }) : () -> ()
      %dma_wait3A_132 = arith.constant 0 : i32
      %dma_wait3A_133 = tpu.memref_slice %arg3[%dma_wait3A_132] : memref<323584xi32, #tpu.memory_space<hbm>> -> memref<128xi32, #tpu.memory_space<hbm>>
      %dma_wait3A_134 = arith.constant 0 : i32
      %dma_wait3A_135 = tpu.memref_slice %arg3[%dma_wait3A_134] : memref<323584xi32, #tpu.memory_space<hbm>> -> memref<128xi32, #tpu.memory_space<hbm>>
      tpu.wait_dma2 semaphore(%arg15 : memref<!tpu.dma_semaphore, #tpu.memory_space<semaphore_mem>>) src(%dma_wait3A_135 : memref<128xi32, #tpu.memory_space<hbm>>) dst(%arg6 : memref<128xi32, #tpu.memory_space<vmem>>)
      %dma_wait3A_136 = arith.constant 0 : i32
      %dma_wait3A_137 = tpu.memref_slice %arg4[%dma_wait3A_136] : memref<323584xi32, #tpu.memory_space<hbm>> -> memref<128xi32, #tpu.memory_space<hbm>>
      %dma_wait3A_138 = arith.constant 0 : i32
      %dma_wait3A_139 = tpu.memref_slice %arg4[%dma_wait3A_138] : memref<323584xi32, #tpu.memory_space<hbm>> -> memref<128xi32, #tpu.memory_space<hbm>>
      tpu.wait_dma2 semaphore(%arg15 : memref<!tpu.dma_semaphore, #tpu.memory_space<semaphore_mem>>) src(%dma_wait3A_139 : memref<128xi32, #tpu.memory_space<hbm>>) dst(%arg7 : memref<128xi32, #tpu.memory_space<vmem>>)
      %add3A_140 = arith.constant 2 : i32
      %add3A_141 = arith.addi %mul3A_87, %add3A_140 : i32
      %dma_start3A_142 = arith.constant 0 : i32
      %dma_start3A_143 = arith.constant 0 : i32
      %dma_start3A_144 = tpu.memref_slice %arg2[%dma_start3A_142, %dma_start3A_143] : memref<10240x128xf32, #tpu.memory_space<hbm>> -> memref<10240x128xf32, #tpu.memory_space<hbm>>
      tpu.enqueue_indirect_dma source(%dma_start3A_144 : memref<10240x128xf32, #tpu.memory_space<hbm>>) target(%arg12 : memref<128x128xf32, #tpu.memory_space<vmem>>) offsets(%arg10 : memref<128xi32, #tpu.memory_space<vmem>>) semaphore(%arg14 : memref<!tpu.dma_semaphore, #tpu.memory_space<semaphore_mem>>)
      %dma_wait3A_145 = arith.constant 0 : i32
      %dma_wait3A_146 = arith.constant 0 : i32
      %dma_wait3A_147 = tpu.memref_slice %arg2[%dma_wait3A_145, %dma_wait3A_146] : memref<10240x128xf32, #tpu.memory_space<hbm>> -> memref<10240x128xf32, #tpu.memory_space<hbm>>
      tpu.wait_indirect_dma semaphore(%arg14 : memref<!tpu.dma_semaphore, #tpu.memory_space<semaphore_mem>>) src(%dma_wait3A_147 : memref<10240x128xf32, #tpu.memory_space<hbm>>) dst(%arg12 : memref<128x128xf32, #tpu.memory_space<vmem>>)
      %add3A_148 = arith.constant 2 : i32
      %add3A_149 = arith.addi %add3A_141, %add3A_148 : i32
      %min3A_150 = arith.constant 78 : i32
      %min3A_151 = arith.minsi %add3A_149, %min3A_150 : i32
      %mul3A_152 = arith.constant 128 : i32
      %mul3A_153 = arith.muli %min3A_151, %mul3A_152 : i32
      %add3A_154 = arith.addi %mul3A_29, %mul3A_153 : i32
      %dma_start3A_155 = tpu.memref_slice %arg3[%add3A_154] : memref<323584xi32, #tpu.memory_space<hbm>> -> memref<128xi32, #tpu.memory_space<hbm>>
      %dma_start3A_156 = tpu.memref_slice %arg3[%add3A_154] : memref<323584xi32, #tpu.memory_space<hbm>> -> memref<128xi32, #tpu.memory_space<hbm>>
      tpu.enqueue_dma source(%dma_start3A_156 : memref<128xi32, #tpu.memory_space<hbm>>) target(%arg8 : memref<128xi32, #tpu.memory_space<vmem>>) target_semaphore(%arg16 : memref<!tpu.dma_semaphore, #tpu.memory_space<semaphore_mem>>)
      %dma_start3A_157 = tpu.memref_slice %arg4[%add3A_154] : memref<323584xi32, #tpu.memory_space<hbm>> -> memref<128xi32, #tpu.memory_space<hbm>>
      %dma_start3A_158 = tpu.memref_slice %arg4[%add3A_154] : memref<323584xi32, #tpu.memory_space<hbm>> -> memref<128xi32, #tpu.memory_space<hbm>>
      tpu.enqueue_dma source(%dma_start3A_158 : memref<128xi32, #tpu.memory_space<hbm>>) target(%arg9 : memref<128xi32, #tpu.memory_space<vmem>>) target_semaphore(%arg16 : memref<!tpu.dma_semaphore, #tpu.memory_space<semaphore_mem>>)
      "tpu.region"() ({
        %run_scoped3A = tpu.sem_alloc : memref<!tpu.dma_semaphore, #tpu.memory_space<semaphore_mem>>
        %dma_start3A_168 = arith.constant 0 : i32
        %dma_start3A_169 = arith.constant 0 : i32
        %dma_start3A_170 = tpu.memref_slice %arg13[%dma_start3A_168, %dma_start3A_169] : memref<10240x128xf32, #tpu.memory_space<vmem_shared>> -> memref<10240x128xf32, #tpu.memory_space<vmem_shared>>
        tpu.enqueue_indirect_dma source(%arg12 : memref<128x128xf32, #tpu.memory_space<vmem>>) target(%dma_start3A_170 : memref<10240x128xf32, #tpu.memory_space<vmem_shared>>) offsets(%arg11 : memref<128xi32, #tpu.memory_space<vmem>>) semaphore(%run_scoped3A : memref<!tpu.dma_semaphore, #tpu.memory_space<semaphore_mem>>) {add = true}
        %dma_wait3A_171 = arith.constant 0 : i32
        %dma_wait3A_172 = arith.constant 0 : i32
        %dma_wait3A_173 = tpu.memref_slice %arg13[%dma_wait3A_171, %dma_wait3A_172] : memref<10240x128xf32, #tpu.memory_space<vmem_shared>> -> memref<10240x128xf32, #tpu.memory_space<vmem_shared>>
        tpu.wait_indirect_dma semaphore(%run_scoped3A : memref<!tpu.dma_semaphore, #tpu.memory_space<semaphore_mem>>) src(%arg12 : memref<128x128xf32, #tpu.memory_space<vmem>>) dst(%dma_wait3A_173 : memref<10240x128xf32, #tpu.memory_space<vmem_shared>>)
        tpu.yield
      }) : () -> ()
      %dma_wait3A_159 = arith.constant 0 : i32
      %dma_wait3A_160 = tpu.memref_slice %arg3[%dma_wait3A_159] : memref<323584xi32, #tpu.memory_space<hbm>> -> memref<128xi32, #tpu.memory_space<hbm>>
      %dma_wait3A_161 = arith.constant 0 : i32
      %dma_wait3A_162 = tpu.memref_slice %arg3[%dma_wait3A_161] : memref<323584xi32, #tpu.memory_space<hbm>> -> memref<128xi32, #tpu.memory_space<hbm>>
      tpu.wait_dma2 semaphore(%arg16 : memref<!tpu.dma_semaphore, #tpu.memory_space<semaphore_mem>>) src(%dma_wait3A_162 : memref<128xi32, #tpu.memory_space<hbm>>) dst(%arg8 : memref<128xi32, #tpu.memory_space<vmem>>)
      %dma_wait3A_163 = arith.constant 0 : i32
      %dma_wait3A_164 = tpu.memref_slice %arg4[%dma_wait3A_163] : memref<323584xi32, #tpu.memory_space<hbm>> -> memref<128xi32, #tpu.memory_space<hbm>>
      %dma_wait3A_165 = arith.constant 0 : i32
      %dma_wait3A_166 = tpu.memref_slice %arg4[%dma_wait3A_165] : memref<323584xi32, #tpu.memory_space<hbm>> -> memref<128xi32, #tpu.memory_space<hbm>>
      tpu.wait_dma2 semaphore(%arg16 : memref<!tpu.dma_semaphore, #tpu.memory_space<semaphore_mem>>) src(%dma_wait3A_166 : memref<128xi32, #tpu.memory_space<hbm>>) dst(%arg9 : memref<128xi32, #tpu.memory_space<vmem>>)
      %scan3A_167 = arith.constant 0 : i32
      scf.yield %scan3A_167 : i32
    }
    %scan3A_69 = arith.constant 26 : i32
    %dma_start3A_70 = arith.constant 0 : i32
    %dma_start3A_71 = arith.constant 0 : i32
    %dma_start3A_72 = tpu.memref_slice %arg2[%dma_start3A_70, %dma_start3A_71] : memref<10240x128xf32, #tpu.memory_space<hbm>> -> memref<10240x128xf32, #tpu.memory_space<hbm>>
    tpu.enqueue_indirect_dma source(%dma_start3A_72 : memref<10240x128xf32, #tpu.memory_space<hbm>>) target(%arg12 : memref<128x128xf32, #tpu.memory_space<vmem>>) offsets(%arg6 : memref<128xi32, #tpu.memory_space<vmem>>) semaphore(%arg14 : memref<!tpu.dma_semaphore, #tpu.memory_space<semaphore_mem>>)
    %dma_wait3A_73 = arith.constant 0 : i32
    %dma_wait3A_74 = arith.constant 0 : i32
    %dma_wait3A_75 = tpu.memref_slice %arg2[%dma_wait3A_73, %dma_wait3A_74] : memref<10240x128xf32, #tpu.memory_space<hbm>> -> memref<10240x128xf32, #tpu.memory_space<hbm>>
    tpu.wait_indirect_dma semaphore(%arg14 : memref<!tpu.dma_semaphore, #tpu.memory_space<semaphore_mem>>) src(%dma_wait3A_75 : memref<10240x128xf32, #tpu.memory_space<hbm>>) dst(%arg12 : memref<128x128xf32, #tpu.memory_space<vmem>>)
    "tpu.region"() ({
      %run_scoped3A = tpu.sem_alloc : memref<!tpu.dma_semaphore, #tpu.memory_space<semaphore_mem>>
      %dma_start3A_84 = arith.constant 0 : i32
      %dma_start3A_85 = arith.constant 0 : i32
      %dma_start3A_86 = tpu.memref_slice %arg13[%dma_start3A_84, %dma_start3A_85] : memref<10240x128xf32, #tpu.memory_space<vmem_shared>> -> memref<10240x128xf32, #tpu.memory_space<vmem_shared>>
      tpu.enqueue_indirect_dma source(%arg12 : memref<128x128xf32, #tpu.memory_space<vmem>>) target(%dma_start3A_86 : memref<10240x128xf32, #tpu.memory_space<vmem_shared>>) offsets(%arg7 : memref<128xi32, #tpu.memory_space<vmem>>) semaphore(%run_scoped3A : memref<!tpu.dma_semaphore, #tpu.memory_space<semaphore_mem>>) {add = true}
      %dma_wait3A_87 = arith.constant 0 : i32
      %dma_wait3A_88 = arith.constant 0 : i32
      %dma_wait3A_89 = tpu.memref_slice %arg13[%dma_wait3A_87, %dma_wait3A_88] : memref<10240x128xf32, #tpu.memory_space<vmem_shared>> -> memref<10240x128xf32, #tpu.memory_space<vmem_shared>>
      tpu.wait_indirect_dma semaphore(%run_scoped3A : memref<!tpu.dma_semaphore, #tpu.memory_space<semaphore_mem>>) src(%arg12 : memref<128x128xf32, #tpu.memory_space<vmem>>) dst(%dma_wait3A_89 : memref<10240x128xf32, #tpu.memory_space<vmem_shared>>)
      tpu.yield
    }) : () -> ()
    %barrier3A_76 = arith.constant 0 : index
    tpu.barrier barrier_id(%barrier3A_76)
    %mul3A_77 = arith.constant 640 : i32
    %mul3A_78 = arith.muli %arg1, %mul3A_77 : i32
    %mul3A_79 = arith.constant 10240 : i32
    %mul3A_80 = arith.muli %arg0, %mul3A_79 : i32
    %mul3A_81 = arith.constant 640 : i32
    %mul3A_82 = arith.muli %arg1, %mul3A_81 : i32
    %add3A_83 = arith.addi %mul3A_80, %mul3A_82 : i32
    "tpu.region"() ({
      %run_scoped3A = tpu.sem_alloc : memref<!tpu.dma_semaphore, #tpu.memory_space<semaphore_mem>>
      %dma_start3A_84 = arith.constant 0 : i32
      %dma_start3A_85 = tpu.memref_slice %arg5[%add3A_83, %dma_start3A_84] : memref<20480x128xf32, #tpu.memory_space<hbm>> -> memref<640x128xf32, #tpu.memory_space<hbm>>
      %dma_start3A_86 = arith.constant 0 : i32
      %dma_start3A_87 = tpu.memref_slice %arg13[%mul3A_78, %dma_start3A_86] : memref<10240x128xf32, #tpu.memory_space<vmem_shared>> -> memref<640x128xf32, #tpu.memory_space<vmem_shared>>
      tpu.enqueue_dma source(%dma_start3A_87 : memref<640x128xf32, #tpu.memory_space<vmem_shared>>) target(%dma_start3A_85 : memref<640x128xf32, #tpu.memory_space<hbm>>) target_semaphore(%run_scoped3A : memref<!tpu.dma_semaphore, #tpu.memory_space<semaphore_mem>>)
      %dma_wait3A_88 = arith.constant 0 : i32
      %dma_wait3A_89 = tpu.memref_slice %arg5[%add3A_83, %dma_wait3A_88] : memref<20480x128xf32, #tpu.memory_space<hbm>> -> memref<640x128xf32, #tpu.memory_space<hbm>>
      %dma_wait3A_90 = arith.constant 0 : i32
      %dma_wait3A_91 = tpu.memref_slice %arg13[%mul3A_78, %dma_wait3A_90] : memref<10240x128xf32, #tpu.memory_space<vmem_shared>> -> memref<640x128xf32, #tpu.memory_space<vmem_shared>>
      tpu.wait_dma2 semaphore(%run_scoped3A : memref<!tpu.dma_semaphore, #tpu.memory_space<semaphore_mem>>) src(%dma_wait3A_91 : memref<640x128xf32, #tpu.memory_space<vmem_shared>>) dst(%dma_wait3A_89 : memref<640x128xf32, #tpu.memory_space<hbm>>)
      tpu.yield
    }) : () -> ()
    return
  }
}

module attributes {stable_mosaic.version = 14 : i64} {
  func.func @kfn(%arg0: i32, %arg1: memref<1024x1xf32, #tpu.memory_space<vmem>>, %arg2: memref<1024x1xf32, #tpu.memory_space<vmem>>, %arg3: memref<1024x128xf32, #tpu.memory_space<vmem>>) attributes {dimension_semantics = [#tpu.dimension_semantics<arbitrary>], iteration_bounds = array<i64: 10>, scalar_prefetch = 0 : i64, scratch_operands = 0 : i64, tpu.core_type = #tpu.core_type<tc>, window_params = [{transform_indices = @transform_0, window_bounds = array<i64: 1024, 1>}, {transform_indices = @transform_1, window_bounds = array<i64: 1024, 1>}, {transform_indices = @transform_2, window_bounds = array<i64: 1024, 128>}]} {
    %get3A = arith.constant 0 : index
    %get3A_0 = arith.constant 0 : index
    %get3A_1 = vector.load %arg1[%get3A, %get3A_0] : memref<1024x1xf32, #tpu.memory_space<vmem>>, vector<1024x1xf32>
    %get3A_2 = arith.constant 0 : index
    %get3A_3 = arith.constant 0 : index
    %get3A_4 = vector.load %arg2[%get3A_2, %get3A_3] : memref<1024x1xf32, #tpu.memory_space<vmem>>, vector<1024x1xf32>
    %add3A = arith.addf %get3A_1, %get3A_4 : vector<1024x1xf32>
    %add3A_5 = arith.constant 1.000000e+00 : f32
    %add3A_6 = vector.broadcast %add3A_5 : f32 to vector<1024x1xf32>
    %add3A_7 = arith.addf %add3A, %add3A_6 : vector<1024x1xf32>
    %rsqrt3A = math.rsqrt %add3A_7 : vector<1024x1xf32>
    %broadcast_in_dim3A = vector.shape_cast %rsqrt3A : vector<1024x1xf32> to vector<1024x1xf32>
    %broadcast_in_dim3A_8 = vector.broadcast %broadcast_in_dim3A : vector<1024x1xf32> to vector<1024x128xf32>
    %swap3A = arith.constant 0 : index
    %swap3A_9 = arith.constant 0 : index
    %swap3A_10 = vector.load %arg3[%swap3A, %swap3A_9] : memref<1024x128xf32, #tpu.memory_space<vmem>>, vector<1024x128xf32>
    tpu.vector_store %arg3[%swap3A, %swap3A_9], %broadcast_in_dim3A_8 {strides = array<i32>} : memref<1024x128xf32, #tpu.memory_space<vmem>>, vector<1024x128xf32>,
    return
  }
  func.func @transform_0(%arg0: i32) -> (i32, i32) {
    %c0_i32 = arith.constant 0 : i32
    %c0_i32_0 = arith.constant 0 : i32
    return %arg0, %c0_i32 : i32, i32
  }
  func.func @transform_1(%arg0: i32) -> (i32, i32) {
    %c0_i32 = arith.constant 0 : i32
    %c0_i32_0 = arith.constant 0 : i32
    return %arg0, %c0_i32 : i32, i32
  }
  func.func @transform_2(%arg0: i32) -> (i32, i32) {
    %c0_i32 = arith.constant 0 : i32
    %c0_i32_0 = arith.constant 0 : i32
    return %arg0, %c0_i32 : i32, i32
  }
}

module attributes {stable_mosaic.version = 14 : i64} {
  func.func @kfn(%arg0: i32, %arg1: memref<1024x128xf32, #tpu.memory_space<vmem>>, %arg2: memref<128x128xf32, #tpu.memory_space<vmem>>, %arg3: memref<1x128xf32, #tpu.memory_space<vmem>>, %arg4: memref<128x128xf32, #tpu.memory_space<vmem>>, %arg5: memref<1024x128xf32, #tpu.memory_space<vmem>>, %arg6: memref<1024x128xf32, #tpu.memory_space<vmem>>) attributes {dimension_semantics = [#tpu.dimension_semantics<arbitrary>], iteration_bounds = array<i64: 10>, scalar_prefetch = 0 : i64, scratch_operands = 0 : i64, tpu.core_type = #tpu.core_type<tc>, window_params = [{transform_indices = @transform_0, window_bounds = array<i64: 1024, 128>}, {pipeline_mode = #tpu.pipeline_mode<synchronous>, transform_indices = @transform_1, window_bounds = array<i64: 128, 128>}, {pipeline_mode = #tpu.pipeline_mode<synchronous>, transform_indices = @transform_2, window_bounds = array<i64: 1, 128>}, {pipeline_mode = #tpu.pipeline_mode<synchronous>, transform_indices = @transform_3, window_bounds = array<i64: 128, 128>}, {transform_indices = @transform_4, window_bounds = array<i64: 1024, 128>}, {transform_indices = @transform_5, window_bounds = array<i64: 1024, 128>}]} {
    %get3A = arith.constant 0 : index
    %get3A_0 = arith.constant 0 : index
    %get3A_1 = vector.load %arg1[%get3A, %get3A_0] : memref<1024x128xf32, #tpu.memory_space<vmem>>, vector<1024x128xf32>
    %get3A_2 = arith.constant 0 : index
    %get3A_3 = arith.constant 0 : index
    %get3A_4 = vector.load %arg2[%get3A_2, %get3A_3] : memref<128x128xf32, #tpu.memory_space<vmem>>, vector<128x128xf32>
    %dot_general3A = arith.constant dense<0.000000e+00> : vector<1024x128xf32>
    %dot_general3A_5 = tpu.matmul %get3A_1, %get3A_4, %dot_general3A {dimension_numbers = #tpu.dot_dimension_numbers<[1], [0], [0], [1], [0, 0, 1, 1], [], []>, transpose_lhs_hint = false} : vector<1024x128xf32>, vector<128x128xf32>, vector<1024x128xf32> -> vector<1024x128xf32>
    %get3A_6 = arith.constant 0 : index
    %get3A_7 = arith.constant 0 : index
    %get3A_8 = vector.load %arg3[%get3A_6, %get3A_7] : memref<1x128xf32, #tpu.memory_space<vmem>>, vector<1x128xf32>
    %add3A = vector.broadcast %get3A_8 : vector<1x128xf32> to vector<1024x128xf32>
    %add3A_9 = arith.addf %dot_general3A_5, %add3A : vector<1024x128xf32>
    %max3A = arith.constant 0.000000e+00 : f32
    %max3A_10 = vector.broadcast %max3A : f32 to vector<1024x128xf32>
    %max3A_11 = arith.maximumf %add3A_9, %max3A_10 : vector<1024x128xf32>
    %get3A_12 = arith.constant 0 : index
    %get3A_13 = arith.constant 0 : index
    %get3A_14 = vector.load %arg4[%get3A_12, %get3A_13] : memref<128x128xf32, #tpu.memory_space<vmem>>, vector<128x128xf32>
    %dot_general3A_15 = arith.constant dense<0.000000e+00> : vector<1024x128xf32>
    %dot_general3A_16 = tpu.matmul %max3A_11, %get3A_14, %dot_general3A_15 {dimension_numbers = #tpu.dot_dimension_numbers<[1], [0], [0], [1], [0, 0, 1, 1], [], []>, transpose_lhs_hint = false} : vector<1024x128xf32>, vector<128x128xf32>, vector<1024x128xf32> -> vector<1024x128xf32>
    %iota3A = tpu.iota {dimensions = array<i32: 0>} : vector<1024x128xi32>
    %mul3A = arith.constant 1024 : i32
    %mul3A_17 = arith.muli %arg0, %mul3A : i32
    %add3A_18 = vector.broadcast %mul3A_17 : i32 to vector<1024x128xi32>
    %add3A_19 = arith.addi %iota3A, %add3A_18 : vector<1024x128xi32>
    %lt3A = arith.constant 10000 : i32
    %lt3A_20 = vector.broadcast %lt3A : i32 to vector<1024x128xi32>
    %lt3A_21 = arith.cmpi slt, %add3A_19, %lt3A_20 : vector<1024x128xi32>
    %get3A_22 = arith.constant 0 : index
    %get3A_23 = arith.constant 0 : index
    %get3A_24 = vector.load %arg5[%get3A_22, %get3A_23] : memref<1024x128xf32, #tpu.memory_space<vmem>>, vector<1024x128xf32>
    %mul3A_25 = arith.mulf %get3A_24, %dot_general3A_16 : vector<1024x128xf32>
    %jit3A = arith.constant 0.000000e+00 : f32
    %broadcast_in_dim3A = vector.broadcast %jit3A : f32 to vector<1024x128xf32>
    %select_n3A = arith.select %lt3A_21, %mul3A_25, %broadcast_in_dim3A : vector<1024x128xi1>, vector<1024x128xf32>
    %swap3A = arith.constant 0 : index
    %swap3A_26 = arith.constant 0 : index
    %swap3A_27 = vector.load %arg6[%swap3A, %swap3A_26] : memref<1024x128xf32, #tpu.memory_space<vmem>>, vector<1024x128xf32>
    tpu.vector_store %arg6[%swap3A, %swap3A_26], %select_n3A {strides = array<i32>} : memref<1024x128xf32, #tpu.memory_space<vmem>>, vector<1024x128xf32>,
    return
  }
  func.func @transform_0(%arg0: i32) -> (i32, i32) {
    %c0_i32 = arith.constant 0 : i32
    %c0_i32_0 = arith.constant 0 : i32
    return %arg0, %c0_i32 : i32, i32
  }
  func.func @transform_1(%arg0: i32) -> (i32, i32) {
    %c0_i32 = arith.constant 0 : i32
    %c0_i32_0 = arith.constant 0 : i32
    %c0_i32_1 = arith.constant 0 : i32
    return %c0_i32, %c0_i32_0 : i32, i32
  }
  func.func @transform_2(%arg0: i32) -> (i32, i32) {
    %c0_i32 = arith.constant 0 : i32
    %c0_i32_0 = arith.constant 0 : i32
    %c0_i32_1 = arith.constant 0 : i32
    return %c0_i32, %c0_i32_0 : i32, i32
  }
  func.func @transform_3(%arg0: i32) -> (i32, i32) {
    %c0_i32 = arith.constant 0 : i32
    %c0_i32_0 = arith.constant 0 : i32
    %c0_i32_1 = arith.constant 0 : i32
    return %c0_i32, %c0_i32_0 : i32, i32
  }
  func.func @transform_4(%arg0: i32) -> (i32, i32) {
    %c0_i32 = arith.constant 0 : i32
    %c0_i32_0 = arith.constant 0 : i32
    return %arg0, %c0_i32 : i32, i32
  }
  func.func @transform_5(%arg0: i32) -> (i32, i32) {
    %c0_i32 = arith.constant 0 : i32
    %c0_i32_0 = arith.constant 0 : i32
    return %arg0, %c0_i32 : i32, i32
  }
}

module attributes {stable_mosaic.version = 14 : i64} {
  func.func @kfn(%arg0: i32, %arg1: memref<1024x128xf32, #tpu.memory_space<vmem>>, %arg2: memref<1024x128xf32, #tpu.memory_space<vmem>>, %arg3: memref<1024x128xf32, #tpu.memory_space<vmem>>, %arg4: memref<1024x128xf32, #tpu.memory_space<vmem>>, %arg5: memref<1x128xf32, #tpu.memory_space<vmem>>, %arg6: memref<128x128xf32, #tpu.memory_space<vmem>>, %arg7: memref<1024x128xf32, #tpu.memory_space<vmem>>) attributes {dimension_semantics = [#tpu.dimension_semantics<arbitrary>], iteration_bounds = array<i64: 10>, scalar_prefetch = 0 : i64, scratch_operands = 0 : i64, tpu.core_type = #tpu.core_type<tc>, window_params = [{transform_indices = @transform_0, window_bounds = array<i64: 1024, 128>}, {transform_indices = @transform_1, window_bounds = array<i64: 1024, 128>}, {transform_indices = @transform_2, window_bounds = array<i64: 1024, 128>}, {transform_indices = @transform_3, window_bounds = array<i64: 1024, 128>}, {pipeline_mode = #tpu.pipeline_mode<synchronous>, transform_indices = @transform_4, window_bounds = array<i64: 1, 128>}, {pipeline_mode = #tpu.pipeline_mode<synchronous>, transform_indices = @transform_5, window_bounds = array<i64: 128, 128>}, {transform_indices = @transform_6, window_bounds = array<i64: 1024, 128>}]} {
    %get3A = arith.constant 0 : index
    %get3A_0 = arith.constant 0 : index
    %get3A_1 = vector.load %arg4[%get3A, %get3A_0] : memref<1024x128xf32, #tpu.memory_space<vmem>>, vector<1024x128xf32>
    %get3A_2 = arith.constant 0 : index
    %get3A_3 = arith.constant 0 : index
    %get3A_4 = vector.load %arg1[%get3A_2, %get3A_3] : memref<1024x128xf32, #tpu.memory_space<vmem>>, vector<1024x128xf32>
    %get3A_5 = arith.constant 0 : index
    %get3A_6 = arith.constant 0 : index
    %get3A_7 = vector.load %arg2[%get3A_5, %get3A_6] : memref<1024x128xf32, #tpu.memory_space<vmem>>, vector<1024x128xf32>
    %add3A = arith.addf %get3A_4, %get3A_7 : vector<1024x128xf32>
    %get3A_8 = arith.constant 0 : index
    %get3A_9 = arith.constant 0 : index
    %get3A_10 = vector.load %arg3[%get3A_8, %get3A_9] : memref<1024x128xf32, #tpu.memory_space<vmem>>, vector<1024x128xf32>
    %add3A_11 = arith.addf %add3A, %get3A_10 : vector<1024x128xf32>
    %mul3A = arith.mulf %get3A_1, %add3A_11 : vector<1024x128xf32>
    %get3A_12 = arith.constant 0 : index
    %get3A_13 = arith.constant 0 : index
    %get3A_14 = vector.load %arg5[%get3A_12, %get3A_13] : memref<1x128xf32, #tpu.memory_space<vmem>>, vector<1x128xf32>
    %add3A_15 = vector.broadcast %get3A_14 : vector<1x128xf32> to vector<1024x128xf32>
    %add3A_16 = arith.addf %mul3A, %add3A_15 : vector<1024x128xf32>
    %max3A = arith.constant 0.000000e+00 : f32
    %max3A_17 = vector.broadcast %max3A : f32 to vector<1024x128xf32>
    %max3A_18 = arith.maximumf %add3A_16, %max3A_17 : vector<1024x128xf32>
    %get3A_19 = arith.constant 0 : index
    %get3A_20 = arith.constant 0 : index
    %get3A_21 = vector.load %arg6[%get3A_19, %get3A_20] : memref<128x128xf32, #tpu.memory_space<vmem>>, vector<128x128xf32>
    %dot_general3A = arith.constant dense<0.000000e+00> : vector<1024x128xf32>
    %dot_general3A_22 = tpu.matmul %max3A_18, %get3A_21, %dot_general3A {dimension_numbers = #tpu.dot_dimension_numbers<[1], [0], [0], [1], [0, 0, 1, 1], [], []>, transpose_lhs_hint = false} : vector<1024x128xf32>, vector<128x128xf32>, vector<1024x128xf32> -> vector<1024x128xf32>
    %iota3A = tpu.iota {dimensions = array<i32: 0>} : vector<1024x128xi32>
    %mul3A_23 = arith.constant 1024 : i32
    %mul3A_24 = arith.muli %arg0, %mul3A_23 : i32
    %add3A_25 = vector.broadcast %mul3A_24 : i32 to vector<1024x128xi32>
    %add3A_26 = arith.addi %iota3A, %add3A_25 : vector<1024x128xi32>
    %lt3A = arith.constant 10000 : i32
    %lt3A_27 = vector.broadcast %lt3A : i32 to vector<1024x128xi32>
    %lt3A_28 = arith.cmpi slt, %add3A_26, %lt3A_27 : vector<1024x128xi32>
    %get3A_29 = arith.constant 0 : index
    %get3A_30 = arith.constant 0 : index
    %get3A_31 = vector.load %arg4[%get3A_29, %get3A_30] : memref<1024x128xf32, #tpu.memory_space<vmem>>, vector<1024x128xf32>
    %mul3A_32 = arith.mulf %get3A_31, %dot_general3A_22 : vector<1024x128xf32>
    %jit3A = arith.constant 0.000000e+00 : f32
    %broadcast_in_dim3A = vector.broadcast %jit3A : f32 to vector<1024x128xf32>
    %select_n3A = arith.select %lt3A_28, %mul3A_32, %broadcast_in_dim3A : vector<1024x128xi1>, vector<1024x128xf32>
    %swap3A = arith.constant 0 : index
    %swap3A_33 = arith.constant 0 : index
    %swap3A_34 = vector.load %arg7[%swap3A, %swap3A_33] : memref<1024x128xf32, #tpu.memory_space<vmem>>, vector<1024x128xf32>
    tpu.vector_store %arg7[%swap3A, %swap3A_33], %select_n3A {strides = array<i32>} : memref<1024x128xf32, #tpu.memory_space<vmem>>, vector<1024x128xf32>,
    return
  }
  func.func @transform_0(%arg0: i32) -> (i32, i32) {
    %c0_i32 = arith.constant 0 : i32
    %c0_i32_0 = arith.constant 0 : i32
    return %arg0, %c0_i32 : i32, i32
  }
  func.func @transform_1(%arg0: i32) -> (i32, i32) {
    %add3A = arith.constant 10 : i32
    %add3A_0 = arith.addi %arg0, %add3A : i32
    %c0_i32 = arith.constant 0 : i32
    %c0_i32_1 = arith.constant 0 : i32
    return %add3A_0, %c0_i32 : i32, i32
  }
  func.func @transform_2(%arg0: i32) -> (i32, i32) {
    %c0_i32 = arith.constant 0 : i32
    %c0_i32_0 = arith.constant 0 : i32
    return %arg0, %c0_i32 : i32, i32
  }
  func.func @transform_3(%arg0: i32) -> (i32, i32) {
    %c0_i32 = arith.constant 0 : i32
    %c0_i32_0 = arith.constant 0 : i32
    return %arg0, %c0_i32 : i32, i32
  }
  func.func @transform_4(%arg0: i32) -> (i32, i32) {
    %c0_i32 = arith.constant 0 : i32
    %c0_i32_0 = arith.constant 0 : i32
    %c0_i32_1 = arith.constant 0 : i32
    return %c0_i32, %c0_i32_0 : i32, i32
  }
  func.func @transform_5(%arg0: i32) -> (i32, i32) {
    %c0_i32 = arith.constant 0 : i32
    %c0_i32_0 = arith.constant 0 : i32
    %c0_i32_1 = arith.constant 0 : i32
    return %c0_i32, %c0_i32_0 : i32, i32
  }
  func.func @transform_6(%arg0: i32) -> (i32, i32) {
    %c0_i32 = arith.constant 0 : i32
    %c0_i32_0 = arith.constant 0 : i32
    return %arg0, %c0_i32 : i32, i32
  }
}

module attributes {stable_mosaic.version = 14 : i64} {
  func.func @kfn(%arg0: i32, %arg1: memref<1024x128xf32, #tpu.memory_space<vmem>>, %arg2: memref<1024x128xf32, #tpu.memory_space<vmem>>, %arg3: memref<1024x128xf32, #tpu.memory_space<vmem>>, %arg4: memref<1024x128xf32, #tpu.memory_space<vmem>>, %arg5: memref<1x128xf32, #tpu.memory_space<vmem>>, %arg6: memref<1024x128xf32, #tpu.memory_space<vmem>>) attributes {dimension_semantics = [#tpu.dimension_semantics<arbitrary>], iteration_bounds = array<i64: 10>, scalar_prefetch = 0 : i64, scratch_operands = 0 : i64, tpu.core_type = #tpu.core_type<tc>, window_params = [{transform_indices = @transform_0, window_bounds = array<i64: 1024, 128>}, {transform_indices = @transform_1, window_bounds = array<i64: 1024, 128>}, {transform_indices = @transform_2, window_bounds = array<i64: 1024, 128>}, {transform_indices = @transform_3, window_bounds = array<i64: 1024, 128>}, {pipeline_mode = #tpu.pipeline_mode<synchronous>, transform_indices = @transform_4, window_bounds = array<i64: 1, 128>}, {transform_indices = @transform_5, window_bounds = array<i64: 1024, 128>}]} {
    %get3A = arith.constant 0 : index
    %get3A_0 = arith.constant 0 : index
    %get3A_1 = vector.load %arg4[%get3A, %get3A_0] : memref<1024x128xf32, #tpu.memory_space<vmem>>, vector<1024x128xf32>
    %get3A_2 = arith.constant 0 : index
    %get3A_3 = arith.constant 0 : index
    %get3A_4 = vector.load %arg1[%get3A_2, %get3A_3] : memref<1024x128xf32, #tpu.memory_space<vmem>>, vector<1024x128xf32>
    %get3A_5 = arith.constant 0 : index
    %get3A_6 = arith.constant 0 : index
    %get3A_7 = vector.load %arg2[%get3A_5, %get3A_6] : memref<1024x128xf32, #tpu.memory_space<vmem>>, vector<1024x128xf32>
    %add3A = arith.addf %get3A_4, %get3A_7 : vector<1024x128xf32>
    %get3A_8 = arith.constant 0 : index
    %get3A_9 = arith.constant 0 : index
    %get3A_10 = vector.load %arg3[%get3A_8, %get3A_9] : memref<1024x128xf32, #tpu.memory_space<vmem>>, vector<1024x128xf32>
    %add3A_11 = arith.addf %add3A, %get3A_10 : vector<1024x128xf32>
    %mul3A = arith.mulf %get3A_1, %add3A_11 : vector<1024x128xf32>
    %get3A_12 = arith.constant 0 : index
    %get3A_13 = arith.constant 0 : index
    %get3A_14 = vector.load %arg5[%get3A_12, %get3A_13] : memref<1x128xf32, #tpu.memory_space<vmem>>, vector<1x128xf32>
    %add3A_15 = vector.broadcast %get3A_14 : vector<1x128xf32> to vector<1024x128xf32>
    %add3A_16 = arith.addf %mul3A, %add3A_15 : vector<1024x128xf32>
    %max3A = arith.constant 0.000000e+00 : f32
    %max3A_17 = vector.broadcast %max3A : f32 to vector<1024x128xf32>
    %max3A_18 = arith.maximumf %add3A_16, %max3A_17 : vector<1024x128xf32>
    %swap3A = arith.constant 0 : index
    %swap3A_19 = arith.constant 0 : index
    %swap3A_20 = vector.load %arg6[%swap3A, %swap3A_19] : memref<1024x128xf32, #tpu.memory_space<vmem>>, vector<1024x128xf32>
    tpu.vector_store %arg6[%swap3A, %swap3A_19], %max3A_18 {strides = array<i32>} : memref<1024x128xf32, #tpu.memory_space<vmem>>, vector<1024x128xf32>,
    return
  }
  func.func @transform_0(%arg0: i32) -> (i32, i32) {
    %c0_i32 = arith.constant 0 : i32
    %c0_i32_0 = arith.constant 0 : i32
    return %arg0, %c0_i32 : i32, i32
  }
  func.func @transform_1(%arg0: i32) -> (i32, i32) {
    %add3A = arith.constant 10 : i32
    %add3A_0 = arith.addi %arg0, %add3A : i32
    %c0_i32 = arith.constant 0 : i32
    %c0_i32_1 = arith.constant 0 : i32
    return %add3A_0, %c0_i32 : i32, i32
  }
  func.func @transform_2(%arg0: i32) -> (i32, i32) {
    %c0_i32 = arith.constant 0 : i32
    %c0_i32_0 = arith.constant 0 : i32
    return %arg0, %c0_i32 : i32, i32
  }
  func.func @transform_3(%arg0: i32) -> (i32, i32) {
    %c0_i32 = arith.constant 0 : i32
    %c0_i32_0 = arith.constant 0 : i32
    return %arg0, %c0_i32 : i32, i32
  }
  func.func @transform_4(%arg0: i32) -> (i32, i32) {
    %c0_i32 = arith.constant 0 : i32
    %c0_i32_0 = arith.constant 0 : i32
    %c0_i32_1 = arith.constant 0 : i32
    return %c0_i32, %c0_i32_0 : i32, i32
  }
  func.func @transform_5(%arg0: i32) -> (i32, i32) {
    %c0_i32 = arith.constant 0 : i32
    %c0_i32_0 = arith.constant 0 : i32
    return %arg0, %c0_i32 : i32, i32
  }
}

</mosaic_0001>

<sc_bundles>
// kernel: kernel.12.cloned.1.call-start
scs
__scs_entry_jumppad:
0x0: {  	(pc) =	sbr.rel $0x88, $3  }
0x1: {  	(tag) =	ssettag $0x0;
	lr =	simm.s32 $0x1  }
0x2: {  	[smem:$0x3F99] =	sst lr;
	_ =	strace $0xD0000000  }
0x3: {  	_ = 	snop  }
0x4: {  	_ = 	snop  }
0x5: {  	_ = 	snop  }
0x6: {  	_ = 	snop  }
0x7: {  	_ = 	snop  }
__scs_overlays_trampoline_lowered:
0x8: {  	[smem:$0x3FA8] =	sst s0  }
0x9: {  	[smem:$0x3FA9] =	sst s1  }
0xa: {  	[smem:$0x3FAA] =	sst s2  }
0xb: {  	[smem:$0x3FAB] =	sst s3  }
0xc: {  	[smem:$0x3FAC] =	sst s4  }
0xd: {  	[smem:$0x3FAD] =	sst s5  }
0xe: {  	[smem:$0x3FAE] =	sst s6  }
0xf: {  	[smem:$0x3FAF] =	sst s7  }
0x10: {  	[smem:$0x3FB0] =	sst s8  }
0x11: {  	[smem:$0x3FB1] =	sst s9;
	s0 =	simm.s32 @!p0 $0x0  }
0x12: {  	s1 =	sld [smem:$0x3F97];
	s0 =	simm.s32 @p0 $0x1  }
0x13: {  	[smem:$0x3FB2] =	sst s0;
	s0 =	simm.s32 @!p1 $0x0  }
0x14: {  	s2 =	sld [smem:$0x3F96];
	s0 =	simm.s32 @p1 $0x1  }
0x15: {  	[smem:$0x3FB3] =	sst s0;
	s0 =	simm.s32 @!p2 $0x0  }
0x16: {  	s3 =	sld [smem:$0x3FDB];
	s0 =	simm.s32 @p2 $0x1  }
0x17: {  	s4 =	simm.s32 $0x1BF5;
	[smem:$0x3FB5] =	sst s0  }
0x18: {  	s0 =	sld [smem:$0x3F98];
	_ =	swait.ge [sflag:s4], $0x0  }
0x19: {  	s7 =	sld [smem:$0x3F99]  }
0x1a: {  	s8 =	sadd.s32 $0xFFFFE003, lr  }
0x1b: {  	s9 =	sadd.s32 $0xFFFFFEF7, lr;
	s5 =	simm.s32 $0xFFFFFFFF;
	p2 =	slt.u32 s8, $0xFFFFF086  }
0x1c: {  	p1 =	slt.u32 s9, $0xF7A;
	s5 =	simm.s32 @!p2 $0x0  }
0x1d: {  	s5 =	simm.s32 @p1 $0x1;
	p0 =	seq.s32 s7, s2  }
0x1e: {  	s7 =	smul.u32 @!p0 $0xF7A, s2;
	p2 =	seq.s32 @!p0 s5, $0x0  }
0x1f: {  	s9 =	smul.u32 $0xF7A, s1;
	s8 =	simm.s32 @!p0 $0x1BF5;
	p2 =	por !p2, p0  }
0x20: {  	[sflag:s8] =	ssyncset.s32 @!p0 $0xFFFFF086;
	s6 =	sadd.s32 @!p0 s3, s7;
	s7 =	simm.s32 @!p0 $0x108  }
0x21: {  	s3 =	sadd.s32 s3, s9;
	s6 =	sadd.s32 @!p0 $0x88, s6;
	s7 =	simm.s32 @p2 $0x1082  }
0x22: {  	[simem:s7], [sflag:s8] =	dma.local @!p0 [hbm:s6], $0xF7A  }
0x23: {  	s9 =	sor.u32 $0xD0000000, s2;
	s6 =	simm.s32 $0x108;
	_ =	swait.ge @!p0 [sflag:s8], $0x0  }
0x24: {  	s3 =	sadd.s32 $0x88, s3;
	s6 =	simm.s32 @!p1 $0x1082;
	[sflag:s4] =	ssyncset.s32 $0xFFFFF086  }
0x25: {  	[simem:s6], [sflag:s4] =	dma.local [hbm:s3], $0xF7A  }
0x26: {  	[smem:$0x3F99] =	sst s1;
	(tag) =	ssettag s2;
	_ =	strace s9  }
0x27: {  	s1 =	sld [smem:$0x3FA9]  }
0x28: {  	s2 =	sld [smem:$0x3FAA]  }
0x29: {  	s4 =	sld [smem:$0x3FAC]  }
0x2a: {  	p0 =	seq.s32 s5, $0x0;
	s5 =	sld [smem:$0x3FAD]  }
0x2b: {  	s6 =	sld [smem:$0x3FAE]  }
0x2c: {  	s7 =	sld [smem:$0x3FAF]  }
0x2d: {  	s3 =	simm.s32 $0x108;
	s8 =	sld [smem:$0x3FB0]  }
0x2e: {  	s3 =	simm.s32 @!p0 $0x1082;
	s9 =	sld [smem:$0x3FB1]  }
0x2f: {  	lr =	sadd.s32 s0, s3;
	s0 =	sld [smem:$0x3FA8]  }
0x30: {  	s3 =	sld [smem:$0x3FAB]  }
0x31: {  	[smem:$0x3FB4] =	sst s10  }
0x32: {  	s10 =	sld [smem:$0x3FB2];
	_ =	sdelay $0x3  }
0x33: {  	p0 =	seq.s32 s10, $0x1;
	s10 =	sld [smem:$0x3FB4];
	_ =	sdelay $0x3  }
0x34: {  	[smem:$0x3FB4] =	sst s10  }
0x35: {  	s10 =	sld [smem:$0x3FB3];
	_ =	sdelay $0x3  }
0x36: {  	p1 =	seq.s32 s10, $0x1;
	s10 =	sld [smem:$0x3FB4];
	_ =	sdelay $0x3  }
0x37: {  	[smem:$0x3FB4] =	sst s10  }
0x38: {  	s10 =	sld [smem:$0x3FB5]  }
0x39: {  	_ = 	snop;
	(pc) =	sbr.ind lr, $3  }
0x3a: {  	_ = 	snop  }
0x3b: {  	_ = 	snop  }
0x3c: {  	p2 =	seq.s32 s10, $0x1;
	s10 =	sld [smem:$0x3FB4]  }
0x3d: {  	_ =	shalt  }
0x3e: {  	_ =	shalt  }
0x3f: {  	_ =	shalt  }
0x40: {  	_ =	shalt  }
0x41: {  	_ =	shalt  }
0x42: {  	_ =	shalt  }
0x43: {  	_ =	shalt  }
0x44: {  	_ =	shalt  }
0x45: {  	_ =	shalt  }
0x46: {  	_ =	shalt  }
0x47: {  	_ =	shalt  }
0x48: {  	_ =	shalt  }
0x49: {  	_ =	shalt  }
0x4a: {  	_ =	shalt  }
0x4b: {  	_ =	shalt  }
0x4c: {  	_ =	shalt  }
0x4d: {  	_ =	shalt  }
0x4e: {  	_ =	shalt  }
0x4f: {  	_ =	shalt  }
0x50: {  	_ =	shalt  }
0x51: {  	_ =	shalt  }
0x52: {  	_ =	shalt  }
0x53: {  	_ =	shalt  }
0x54: {  	_ =	shalt  }
0x55: {  	_ =	shalt  }
0x56: {  	_ =	shalt  }
0x57: {  	_ =	shalt  }
0x58: {  	_ =	shalt  }
0x59: {  	_ =	shalt  }
0x5a: {  	_ =	shalt  }
0x5b: {  	_ =	shalt  }
0x5c: {  	_ =	shalt  }
0x5d: {  	_ =	shalt  }
0x5e: {  	_ =	shalt  }
0x5f: {  	_ =	shalt  }
0x60: {  	_ =	shalt  }
0x61: {  	_ =	shalt  }
0x62: {  	_ =	shalt  }
0x63: {  	_ =	shalt  }
0x64: {  	_ =	shalt  }
0x65: {  	_ =	shalt  }
0x66: {  	_ =	shalt  }
0x67: {  	_ =	shalt  }
0x68: {  	_ =	shalt  }
0x69: {  	_ =	shalt  }
0x6a: {  	_ =	shalt  }
0x6b: {  	_ =	shalt  }
0x6c: {  	_ =	shalt  }
0x6d: {  	_ =	shalt  }
0x6e: {  	_ =	shalt  }
0x6f: {  	_ =	shalt  }
0x70: {  	_ =	shalt  }
0x71: {  	_ =	shalt  }
0x72: {  	_ =	shalt  }
0x73: {  	_ =	shalt  }
0x74: {  	_ =	shalt  }
0x75: {  	_ =	shalt  }
0x76: {  	_ =	shalt  }
0x77: {  	_ =	shalt  }
0x78: {  	_ =	shalt  }
0x79: {  	_ =	shalt  }
0x7a: {  	_ =	shalt  }
0x7b: {  	_ =	shalt  }
0x7c: {  	_ =	shalt  }
0x7d: {  	_ =	shalt  }
0x7e: {  	_ =	shalt  }
0x7f: {  	_ =	shalt  }
0x80: {  	_ =	shalt  }
0x81: {  	_ =	shalt  }
0x82: {  	_ =	shalt  }
0x83: {  	_ =	shalt  }
0x84: {  	_ =	shalt  }
0x85: {  	_ =	shalt  }
0x86: {  	_ =	shalt  }
0x87: {  	_ =	shalt  }
.Lfunc_end0:
.L_simem_size_0:
called_computation.1_lowered:
.L_overlay_start_0:
0x88: {  	s2 =	sld [smem:$0x3FD9]  }
0x89: {  	s3 =	sld [smem:$0x3FFE];
	_ =	sdelay $0x1  }
0x8a: {  	s1 =	srdreg.scid  }
0x8b: {  	s0 =	sand.u32 $0x1, s1  }
0x8c: {  	s17 =	sshll.u32 s0, $0xA;
	s2 =	sadd.s32 s3, s2  }
0x8d: {  	s2 =	sadd.s32 s2, s17  }
0x8e: {  	[smem:$0x3FC0] =	sst s2  }
0x8f: {  	_ = 	snop  }
0x90: {  	s2 =	sld [smem:$0x3FD0];
	(tm) =	ssettm $0x1  }
0x91: {  	s18 =	sld [smem:$0x3FFB];
	_ =	sdelay $0x3  }
0x92: {  	_ =	strace s18  }
0x93: {  	s3 =	sld [smem:$0x3FFC];
	_ =	sdelay $0x3  }
0x94: {  	_ =	strace s3  }
0x95: {  	s3 =	sld [smem:$0x3FFD];
	_ =	sdelay $0x3  }
0x96: {  	_ =	strace s3  }
0x97: {  	_ =	strace $0x8FFFFFFF  }
0x98: {  	s19 =	sld [smem:$0x3FDB];
	_ =	sdelay $0x1  }
0x99: {  	s4 =	simm.s32 $_scs_section_size  }
0x9a: {  	s5 =	simm.s32 $_size__tile_overlayer_lowered;
	s6 =	simm.s32 $_tile_overlayer_lowered  }
0x9b: {  	s22 =	simm.s32 $0x1BFF;
	s21 =	sshll.u32 s6, $0x1;
	s3 =	sadd.s32 s4, s19  }
0x9c: {  	s7 =	simm.s32 $0x0;
	s20 =	sshll.u32 s5, $0x1;
	s5 =	sadd.s32 s21, s3  }
0x9d: {  	[timem:s7], [sflag:s22] =	dma.local [hbm:s5], s20  }
0x9e: {  	_ =	swait.ge [sflag:s22], s20  }
0x9f: {  	s4 =	ssub.s32 $0x0, s20;
	[sflag:s22] =	ssyncset.done $0x0  }
0xa0: {  	[sflag:s22] =	ssyncadd.s32 s4;
	_ =	sdelay $0x1  }
0xa1: {  	s23 =	simm.s32 $0x1B8B  }
0xa2: {  	_ =	swait.ge [sflag:s23], $0x1  }
0xa3: {  	[sflag:s23] =	ssyncset.done $0x0  }
0xa4: {  	s25 =	simm.s32 $0x1B8E;
	s24 =	sld [smem:$0x3FFE];
	[sflag:s23] =	ssyncadd.s32 $0xFFFFFFFF  }
0xa5: {  	s26 =	simm.s32 $execute0_lowered;
	[smem:$0x3FD2] =	sst s25  }
0xa6: {  	s5 =	sshll.u32 s26, $0x1;
	_ =	strace $0x80000049;
	[dreg:$0x1] =	wrdreg $0xFFFFFFFF  }
0xa7: {  	s28 =	simm.s32 $_size_execute0_lowered;
	s3 =	sadd.s32 s3, s5;
	[dreg:$0x0] =	wrdreg $0x0  }
0xa8: {  	s5 =	sshll.u32 s28, $0x1;
	[dreg:$0x2] =	wrdreg s3  }
0xa9: {  	[dreg:$0x3] =	wrdreg s5  }
0xaa: {  	[dreg:$0x4] =	wrdreg $0xC0  }
0xab: {  	_ =	task [dreg:s7], $0x5FFFF  }
0xac: {  	[dreg:$0x1] =	wrdreg $0xFFFFFFFF  }
0xad: {  	[dreg:$0x0] =	wrdreg $0x60  }
0xae: {  	[dreg:$0x2] =	wrdreg s24  }
0xaf: {  	[dreg:$0x3] =	wrdreg s2  }
0xb0: {  	[dreg:$0x4] =	wrdreg $0x43000  }
0xb1: {  	[dreg:$0x5] =	wrdreg $0x9  }
0xb2: {  	_ =	task.clear_ibuf [dreg:s7], $0x6FFFF;
	_ =	strace $0x90000049  }
0xb3: {  	s29 =	simm.s32 $0x9;
	_ =	strace $0x8000004B  }
0xb4: {  	_ =	swait.ge [sflag:s29], $0x1  }
0xb5: {  	[sflag:s29] =	ssyncadd.s32 $0xFFFFFFFF  }
0xb6: {  	_ =	strace $0x9000004B  }
0xb7: {  	_ =	sfence  }
0xb8: {  	s30 =	sld [smem:$0x0];
	_ =	sdelay $0x2  }
0xb9: {  	s31 =	sshll.u32 s1, $0xD;
	s1 =	sshrl.u32 s1, $0x2  }
0xba: {  	s3 =	sand.u32 $0x4000, s31;
	s1 =	sadd.s32 s1, s30  }
0xbb: {  	s0 =	sor.u32 s3, s0;
	s1 =	sshll.u32 s1, $0x11  }
0xbc: {  	s0 =	sor.u32 s1, s0  }
0xbd: {  	s0 =	sadd.s32 $0x8F2B, s0  }
0xbe: {  	[sflag:s0] =	ssyncadd.remote.s32 $0x1  }
0xbf: {  	_ =	sfence.sel $0xFFFF  }
0xc0: {  	[dreg:$0x0] =	wrdreg $0xFFFFFFFF;
	(pc) =	sbr.abs _section_cstart, $3  }
0xc1: {  	[dreg:$0x1] =	wrdreg $0xFFFFFFFF  }
0xc2: {  	_ =	task.clear_ibuf [dreg:s7], $0x2FFFF;
	_ =	strace $0x9FFFFFFF  }
0xc3: {  	(tm) =	ssettm $0x7FFFFFFF  }
tec
execute0_lowered:
.L_overlay_start_1:
0x0: {  	(tag) =	ssettag $0x1  }
0x1: {  	s0 =	rddreg [dreg:$0x0]  }
0x2: {  	s2 =	rddreg [dreg:$0x1];
	s1 =	srdreg.scid  }
0x3: {  	s12 =	stileid.u32;
	s3 =	rddreg [dreg:$0x2]  }
0x4: {  	s4 =	simm.s32 $0x0;
	s28 =	simm.s32 $0x3;
	s5 =	smul.u32 $0x2800, s12  }
0x5: {  	s29 =	simm.s32 $0x1;
	s30 =	simm.s32 $0x200;
	s8 =	smul.u32 $0x50000, s12  }
0x6: {  	s1 =	sand.u32 $0x1, s1;
	[smem:$0x7FF] =	sst s4;
	s21 =	smul.u32 $0x2780, s12  }
0x7: {  	s31 =	simm.s32 $0x280;
	s6 =	smul.u32 $0x28000, s1;
	_ =	strace $0x8000004A  }
0x8: {  	s9 =	ssub.s32 $0x2, s1;
	s13 =	sshll.u32 s1, $0x4;
	s1 =	smul.u32 $0x27800, s1  }
0x9: {  	s8 =	sshrl.u32 s8, $0x2;
	s10 =	sshrl.u32 s9, $0x1;
	s11 =	sor.u32 s12, s13  }
0xa: {  	s7 =	sadd.s32 s5, s6;
	s5 =	sadd.s32 $0xCA00, s0;
	s6 =	sadd.s32 $0x2C00, s0  }
0xb: {  	s14 =	ssub.s32 s9, s10;
	s16 =	smul.u32 $0x2780, s11;
	s1 =	sadd.s32 s21, s1  }
0xc: {  	s21 =	simm.s32 $0x300;
	s0 =	sadd.s32 s7, s0;
	s7 =	sadd.s32 s8, s3  }
0xd: {  	s25 =	sadd.s32 $0x100, s1;
	s15 =	sadd.s32 $0x4000, s7;
	s17 =	sadd.s32 $0x8000, s7  }
0xe: {  	s18 =	sadd.s32 $0xC000, s7;
	s19 =	sadd.s32 $0x10000, s7;
	[dreg:$0x5] =	wrdreg s15  }
0xf: {  	s20 =	sshrl.u32 s16, $0x3;
	s9 =	sadd.s32 $0x200, s16;
	[dreg:$0x6] =	wrdreg s17  }
0x10: {  	s16 =	sadd.s32 $0x34A00, s0;
	s26 =	sshrl.u32 s25, $0x3;
	[dreg:$0x7] =	wrdreg s18  }
0x11: {  	s25 =	simm.s32 $0x100;
	s0 =	simm.s32 $0x0;
	[dreg:$0x8] =	wrdreg s19  }
0x12: {  	s22 =	sadd.s32 s2, s20;
	s23 =	sadd.s32 s6, s20;
	s10 =	sadd.s32 $0x10, s20  }
0x13: {  	[dreg:$0x4] =	wrdreg s9;
	s17 =	smax.u32 s14, $0x1;
	s11 =	sadd.s32 s26, s6  }
0x14: {  	s20 =	sadd.s32 s26, s2;
	s26 =	simm.s32 $0x180;
	[dreg:$0x9] =	wrdreg s22  }
0x15: {  	[dreg:$0xa] =	wrdreg s23;
	s24 =	sadd.s32 s2, s10;
	s15 =	sadd.s32 s6, s10  }
0x16: {  	s10 =	sadd.s32 $0x180, s1;
	s22 =	simm.s32 $0x5;
	s23 =	simm.s32 $0x80  }
0x17: {  	v0 =	vimm.f32 $0.0e+00;
	s1 =	simm.s32 $0x4;
	[dreg:$0xb] =	wrdreg s24;
	s24 =	simm.s32 $0x2  }
.LBB2_1:
0x18: {  	s8 =	simm.s32 $0x0;
	s9 =	simm.s32 $0x200  }
.LBB2_2:
0x19: {  	p0 =	sne.s32 s9, $0xFE00;
	[tilespmem:s8+$0x370] =	vst v0  }
0x1a: {  	[tilespmem:s8+$0x300] =	vst v0  }
0x1b: {  	[tilespmem:s8+$0x310] =	vst v0  }
.Ltmp0:
0x1c: {  	[tilespmem:s8+$0x320] =	vst v0;
	(pc) =	sbr.rel @p0 .LBB2_2-.Ltmp0, $4  }
0x1d: {  	[tilespmem:s8+$0x330] =	vst v0  }
0x1e: {  	[tilespmem:s8+$0x340] =	vst v0  }
0x1f: {  	[tilespmem:s8+$0x350] =	vst v0  }
0x20: {  	[tilespmem:s8+$0x360] =	vst v0;
	s8 =	sshra.s32 s9, $0x2;
	s9 =	sadd.s32 $0x200, s9  }
0x21: {  	[tilespmem:s8+$0x370] =	vst v0  }
0x22: {  	[tilespmem:s8+$0x300] =	vst v0  }
0x23: {  	[tilespmem:s8+$0x310] =	vst v0  }
0x24: {  	[tilespmem:s8+$0x320] =	vst v0  }
0x25: {  	[tilespmem:s8+$0x330] =	vst v0  }
0x26: {  	[tilespmem:s8+$0x340] =	vst v0  }
0x27: {  	[tilespmem:s8+$0x350] =	vst v0  }
0x28: {  	[tilespmem:s8+$0x360] =	vst v0  }
0x29: {  	[spmem:s7] =	stream.linear.scatter [tilespmem:s21], [sflag:$0x5], $0x4000, $0x38;
	[tilespmem:$0x18300] =	vst v63  }
0x2a: {  	_ =	swait.ge [sflag:s22], $0x4000  }
0x2b: {  	[sflag:s22] =	ssyncset.done $0x0  }
0x2c: {  	s12 =	rddreg [dreg:$0x5];
	[sflag:s22] =	ssyncadd.s32 $0xFFFFC000  }
0x2d: {  	[spmem:s12] =	stream.linear.scatter [tilespmem:s21], [sflag:$0x5], $0x4000, $0x38;
	[tilespmem:$0x18300] =	vst v63  }
0x2e: {  	_ =	swait.ge [sflag:s22], $0x4000  }
0x2f: {  	[sflag:s22] =	ssyncset.done $0x0  }
0x30: {  	s13 =	rddreg [dreg:$0x6];
	[sflag:s22] =	ssyncadd.s32 $0xFFFFC000  }
0x31: {  	[spmem:s13] =	stream.linear.scatter [tilespmem:s21], [sflag:$0x5], $0x4000, $0x38;
	[tilespmem:$0x18300] =	vst v63  }
0x32: {  	_ =	swait.ge [sflag:s22], $0x4000  }
0x33: {  	[sflag:s22] =	ssyncset.done $0x0  }
0x34: {  	s14 =	rddreg [dreg:$0x7];
	[sflag:s22] =	ssyncadd.s32 $0xFFFFC000  }
0x35: {  	[spmem:s14] =	stream.linear.scatter [tilespmem:s21], [sflag:$0x5], $0x4000, $0x38;
	[tilespmem:$0x18300] =	vst v63  }
0x36: {  	_ =	swait.ge [sflag:s22], $0x4000  }
0x37: {  	[sflag:s22] =	ssyncset.done $0x0  }
0x38: {  	s18 =	rddreg [dreg:$0x8];
	[sflag:s22] =	ssyncadd.s32 $0xFFFFC000  }
0x39: {  	[spmem:s18] =	stream.linear.scatter [tilespmem:s21], [sflag:$0x5], $0x4000, $0x38;
	[tilespmem:$0x18300] =	vst v63  }
0x3a: {  	_ =	swait.ge [sflag:s22], $0x4000  }
0x3b: {  	[sflag:s22] =	ssyncset.done $0x0  }
0x3c: {  	[sflag:s22] =	ssyncadd.s32 $0xFFFFC000  }
0x3d: {  	[bflag:$0x0] =	sbarrier.arrive $0xFFFF  }
0x3e: {  	s19 =	simm.s32 $0x0;
	s9 =	rddreg [dreg:$0x9]  }
0x3f: {  	[tilespmem:s19], [sflag:$0x2] =	stream.linear.gather [hbm4b:s9+s19], $0x80, $0x38;
	[tilespmem:$0x18300] =	vst v63  }
0x40: {  	s12 =	rddreg [dreg:$0xa]  }
0x41: {  	[tilespmem:s23], [sflag:$0x2] =	stream.linear.gather [hbm4b:s12+s19], $0x80, $0x38;
	[tilespmem:$0x18300] =	vst v63  }
0x42: {  	_ =	swait.ge [sflag:s24], $0x80  }
0x43: {  	[sflag:s24] =	ssyncset.done $0x0  }
0x44: {  	[sflag:s24] =	ssyncadd.s32 $0xFFFFFF80  }
0x45: {  	_ =	swait.ge [sflag:s24], $0x80  }
0x46: {  	[sflag:s24] =	ssyncset.done $0x0  }
0x47: {  	s13 =	rddreg [dreg:$0xb];
	[sflag:s24] =	ssyncadd.s32 $0xFFFFFF80  }
0x48: {  	[tilespmem:s25], [sflag:$0x3] =	stream.linear.gather [hbm4b:s13+s19], $0x80, $0x38;
	[tilespmem:$0x18300] =	vst v63  }
0x49: {  	_ = 	snop  }
0x4a: {  	[tilespmem:s26], [sflag:$0x3] =	stream.linear.gather [hbm4b:s15+s19], $0x80, $0x38;
	[tilespmem:$0x18300] =	vst v63  }
0x4b: {  	_ =	swait.ge [sflag:s28], $0x80  }
0x4c: {  	[sflag:s28] =	ssyncset.done $0x0  }
0x4d: {  	[sflag:s28] =	ssyncadd.s32 $0xFFFFFF80  }
0x4e: {  	_ =	swait.ge [sflag:s28], $0x80  }
0x4f: {  	[sflag:s28] =	ssyncset.done $0x0  }
0x50: {  	[sflag:s28] =	ssyncadd.s32 $0xFFFFFF80  }
0x51: {  	[tilespmem:s21], [sflag:$0x1] =	stream.indirect.gather [hbm4b:s5+s23], $0x80, s4, s23, $0xb8;
	[tilespmem:$0x18300] =	vst v63  }
0x52: {  	_ =	swait.ge [sflag:s29], $0x4000  }
0x53: {  	[sflag:s29] =	ssyncset.done $0x0  }
0x54: {  	[sflag:s29] =	ssyncadd.s32 $0xFFFFC000  }
0x55: {  	[tilespmem:s30], [sflag:$0x4] =	stream.linear.gather [hbm4b:s20+s4], $0x80, $0x38;
	[tilespmem:$0x18300] =	vst v63  }
0x56: {  	_ = 	snop  }
0x57: {  	[tilespmem:s31], [sflag:$0x4] =	stream.linear.gather [hbm4b:s11+s4], $0x80, $0x38;
	[tilespmem:$0x18300] =	vst v63  }
0x58: {  	_ = 	snop  }
0x59: {  	[spmem:s3] =	stream.indirect.scatter.add.f32 [tilespmem:s21], [sflag:$0x5], $0x80, s23, s23, $0xb8;
	[tilespmem:$0x18300] =	vst v63  }
0x5a: {  	_ =	swait.ge [sflag:s22], $0x4000  }
0x5b: {  	[sflag:s22] =	ssyncset.done $0x0  }
0x5c: {  	[sflag:s22] =	ssyncadd.s32 $0xFFFFC000  }
0x5d: {  	_ =	swait.ge [sflag:s1], $0x80  }
0x5e: {  	[sflag:s1] =	ssyncset.done $0x0  }
0x5f: {  	[sflag:s1] =	ssyncadd.s32 $0xFFFFFF80  }
0x60: {  	_ =	swait.ge [sflag:s1], $0x80  }
0x61: {  	[sflag:s1] =	ssyncset.done $0x0  }
0x62: {  	[sflag:s1] =	ssyncadd.s32 $0xFFFFFF80  }
0x63: {  	[tilespmem:s21], [sflag:$0x1] =	stream.indirect.gather [hbm4b:s5+s23], $0x80, s25, s23, $0xb8;
	[tilespmem:$0x18300] =	vst v63  }
0x64: {  	_ =	swait.ge [sflag:s29], $0x4000  }
0x65: {  	s14 =	sshrl.u32 s10, $0x3;
	[sflag:s29] =	ssyncset.done $0x0  }
0x66: {  	s12 =	sadd.s32 s2, s14;
	[sflag:s29] =	ssyncadd.s32 $0xFFFFC000  }
0x67: {  	[tilespmem:s4], [sflag:$0x2] =	stream.linear.gather [hbm4b:s12+s4], $0x80, $0x38;
	[tilespmem:$0x18300] =	vst v63  }
0x68: {  	s9 =	sadd.s32 s6, s14  }
0x69: {  	[tilespmem:s23], [sflag:$0x2] =	stream.linear.gather [hbm4b:s9+s4], $0x80, $0x38;
	[tilespmem:$0x18300] =	vst v63  }
0x6a: {  	_ = 	snop  }
0x6b: {  	[spmem:s3] =	stream.indirect.scatter.add.f32 [tilespmem:s21], [sflag:$0x5], $0x80, s26, s23, $0xb8;
	[tilespmem:$0x18300] =	vst v63  }
0x6c: {  	_ =	swait.ge [sflag:s22], $0x4000  }
0x6d: {  	[sflag:s22] =	ssyncset.done $0x0  }
0x6e: {  	[sflag:s22] =	ssyncadd.s32 $0xFFFFC000  }
0x6f: {  	_ =	swait.ge [sflag:s24], $0x80  }
0x70: {  	[sflag:s24] =	ssyncset.done $0x0  }
0x71: {  	[sflag:s24] =	ssyncadd.s32 $0xFFFFFF80  }
0x72: {  	_ =	swait.ge [sflag:s24], $0x80  }
0x73: {  	[sflag:s24] =	ssyncset.done $0x0  }
0x74: {  	[sflag:s24] =	ssyncadd.s32 $0xFFFFFF80  }
0x75: {  	[tilespmem:s21], [sflag:$0x1] =	stream.indirect.gather [hbm4b:s5+s23], $0x80, s30, s23, $0xb8;
	[tilespmem:$0x18300] =	vst v63  }
0x76: {  	s8 =	smin.u32 s19, $0x4A;
	_ =	swait.ge [sflag:s29], $0x4000  }
0x77: {  	s8 =	sshll.u32 s8, $0x7;
	s18 =	rddreg [dreg:$0x4]  }
0x78: {  	s8 =	sadd.s32 s8, s18  }
0x79: {  	[sflag:s29] =	ssyncset.done $0x0;
	s8 =	sshrl.u32 s8, $0x3  }
0x7a: {  	[sflag:s29] =	ssyncadd.s32 $0xFFFFC000;
	s19 =	sadd.s32 s2, s8  }
0x7b: {  	[tilespmem:s25], [sflag:$0x3] =	stream.linear.gather [hbm4b:s19+s4], $0x80, $0x38;
	[tilespmem:$0x18300] =	vst v63  }
0x7c: {  	s8 =	sadd.s32 s6, s8  }
0x7d: {  	[tilespmem:s26], [sflag:$0x3] =	stream.linear.gather [hbm4b:s8+s4], $0x80, $0x38;
	[tilespmem:$0x18300] =	vst v63  }
0x7e: {  	_ = 	snop  }
0x7f: {  	[spmem:s3] =	stream.indirect.scatter.add.f32 [tilespmem:s21], [sflag:$0x5], $0x80, s31, s23, $0xb8;
	[tilespmem:$0x18300] =	vst v63  }
0x80: {  	_ =	swait.ge [sflag:s22], $0x4000  }
0x81: {  	[sflag:s22] =	ssyncset.done $0x0  }
0x82: {  	[sflag:s22] =	ssyncadd.s32 $0xFFFFC000  }
0x83: {  	_ =	swait.ge [sflag:s28], $0x80  }
0x84: {  	[sflag:s28] =	ssyncset.done $0x0  }
0x85: {  	[sflag:s28] =	ssyncadd.s32 $0xFFFFFF80  }
0x86: {  	s9 =	sadd.s32 $0x30, s20;
	s18 =	smov.u32 s10;
	_ =	swait.ge [sflag:s28], $0x80  }
0x87: {  	s19 =	smov.u32 s11;
	s8 =	simm.s32 $0x3;
	[sflag:s28] =	ssyncset.done $0x0  }
.LBB2_4:
0x88: {  	[sflag:s28] =	ssyncadd.s32 $0xFFFFFF80  }
0x89: {  	[tilespmem:s21], [sflag:$0x1] =	stream.indirect.gather [hbm4b:s5+s23], $0x80, s4, s23, $0xb8;
	[tilespmem:$0x18300] =	vst v63  }
0x8a: {  	_ =	swait.ge [sflag:s29], $0x4000  }
0x8b: {  	[sflag:s29] =	ssyncset.done $0x0  }
0x8c: {  	[sflag:s29] =	ssyncadd.s32 $0xFFFFC000  }
0x8d: {  	[tilespmem:s30], [sflag:$0x4] =	stream.linear.gather [hbm4b:s9+s4], $0x80, $0x38;
	[tilespmem:$0x18300] =	vst v63  }
0x8e: {  	s19 =	sadd.s32 $0x30, s19  }
0x8f: {  	[tilespmem:s31], [sflag:$0x4] =	stream.linear.gather [hbm4b:s19+s4], $0x80, $0x38;
	[tilespmem:$0x18300] =	vst v63  }
0x90: {  	_ = 	snop  }
0x91: {  	[spmem:s3] =	stream.indirect.scatter.add.f32 [tilespmem:s21], [sflag:$0x5], $0x80, s23, s23, $0xb8;
	[tilespmem:$0x18300] =	vst v63  }
0x92: {  	_ =	swait.ge [sflag:s22], $0x4000  }
0x93: {  	[sflag:s22] =	ssyncset.done $0x0  }
0x94: {  	[sflag:s22] =	ssyncadd.s32 $0xFFFFC000  }
0x95: {  	_ =	swait.ge [sflag:s1], $0x80  }
0x96: {  	[sflag:s1] =	ssyncset.done $0x0  }
0x97: {  	[sflag:s1] =	ssyncadd.s32 $0xFFFFFF80  }
0x98: {  	_ =	swait.ge [sflag:s1], $0x80  }
0x99: {  	[sflag:s1] =	ssyncset.done $0x0  }
0x9a: {  	[sflag:s1] =	ssyncadd.s32 $0xFFFFFF80  }
0x9b: {  	[tilespmem:s21], [sflag:$0x1] =	stream.indirect.gather [hbm4b:s5+s23], $0x80, s25, s23, $0xb8;
	[tilespmem:$0x18300] =	vst v63  }
0x9c: {  	s18 =	sadd.s32 $0x180, s18;
	_ =	swait.ge [sflag:s29], $0x4000  }
0x9d: {  	s13 =	sshrl.u32 s18, $0x3;
	[sflag:s29] =	ssyncset.done $0x0  }
0x9e: {  	s14 =	sadd.s32 s2, s13;
	[sflag:s29] =	ssyncadd.s32 $0xFFFFC000  }
0x9f: {  	[tilespmem:s4], [sflag:$0x2] =	stream.linear.gather [hbm4b:s14+s4], $0x80, $0x38;
	[tilespmem:$0x18300] =	vst v63  }
0xa0: {  	s13 =	sadd.s32 s6, s13  }
0xa1: {  	[tilespmem:s23], [sflag:$0x2] =	stream.linear.gather [hbm4b:s13+s4], $0x80, $0x38;
	[tilespmem:$0x18300] =	vst v63  }
0xa2: {  	_ = 	snop  }
0xa3: {  	[spmem:s3] =	stream.indirect.scatter.add.f32 [tilespmem:s21], [sflag:$0x5], $0x80, s26, s23, $0xb8;
	[tilespmem:$0x18300] =	vst v63  }
0xa4: {  	_ =	swait.ge [sflag:s22], $0x4000  }
0xa5: {  	[sflag:s22] =	ssyncset.done $0x0  }
0xa6: {  	[sflag:s22] =	ssyncadd.s32 $0xFFFFC000  }
0xa7: {  	_ =	swait.ge [sflag:s24], $0x80  }
0xa8: {  	[sflag:s24] =	ssyncset.done $0x0  }
0xa9: {  	[sflag:s24] =	ssyncadd.s32 $0xFFFFFF80  }
0xaa: {  	_ =	swait.ge [sflag:s24], $0x80  }
0xab: {  	[sflag:s24] =	ssyncset.done $0x0  }
0xac: {  	s12 =	smov.u32 s8;
	[sflag:s24] =	ssyncadd.s32 $0xFFFFFF80  }
0xad: {  	[tilespmem:s21], [sflag:$0x1] =	stream.indirect.gather [hbm4b:s5+s23], $0x80, s30, s23, $0xb8;
	[tilespmem:$0x18300] =	vst v63  }
0xae: {  	s12 =	smin.u32 s12, $0x4A;
	_ =	swait.ge [sflag:s29], $0x4000  }
0xaf: {  	s12 =	sshll.u32 s12, $0x7;
	s14 =	rddreg [dreg:$0x4]  }
0xb0: {  	s12 =	sadd.s32 s12, s14  }
0xb1: {  	[sflag:s29] =	ssyncset.done $0x0;
	s12 =	sshrl.u32 s12, $0x3  }
0xb2: {  	[sflag:s29] =	ssyncadd.s32 $0xFFFFC000;
	s14 =	sadd.s32 s2, s12  }
0xb3: {  	[tilespmem:s25], [sflag:$0x3] =	stream.linear.gather [hbm4b:s14+s4], $0x80, $0x38;
	[tilespmem:$0x18300] =	vst v63  }
0xb4: {  	s12 =	sadd.s32 s6, s12  }
0xb5: {  	[tilespmem:s26], [sflag:$0x3] =	stream.linear.gather [hbm4b:s12+s4], $0x80, $0x38;
	[tilespmem:$0x18300] =	vst v63  }
0xb6: {  	_ = 	snop  }
0xb7: {  	[spmem:s3] =	stream.indirect.scatter.add.f32 [tilespmem:s21], [sflag:$0x5], $0x80, s31, s23, $0xb8;
	[tilespmem:$0x18300] =	vst v63  }
0xb8: {  	_ =	swait.ge [sflag:s22], $0x4000  }
0xb9: {  	[sflag:s22] =	ssyncset.done $0x0  }
0xba: {  	p0 =	sne.s32 s8, $0x4B;
	[sflag:s22] =	ssyncadd.s32 $0xFFFFC000  }
.Ltmp1:
0xbb: {  	_ =	swait.ge [sflag:s28], $0x80;
	(pc) =	sbr.rel @p0 .LBB2_4-.Ltmp1, $4  }
0xbc: {  	[sflag:s28] =	ssyncset.done $0x0  }
0xbd: {  	[sflag:s28] =	ssyncadd.s32 $0xFFFFFF80  }
0xbe: {  	_ =	swait.ge [sflag:s28], $0x80  }
0xbf: {  	s8 =	sadd.s32 $0x3, s8;
	s9 =	sadd.s32 $0x30, s9;
	[sflag:s28] =	ssyncset.done $0x0  }
0xc0: {  	[sflag:s28] =	ssyncadd.s32 $0xFFFFFF80  }
0xc1: {  	[tilespmem:s21], [sflag:$0x1] =	stream.indirect.gather [hbm4b:s5+s23], $0x80, s4, s23, $0xb8;
	[tilespmem:$0x18300] =	vst v63  }
0xc2: {  	_ =	swait.ge [sflag:s29], $0x4000  }
0xc3: {  	[sflag:s29] =	ssyncset.done $0x0  }
0xc4: {  	[sflag:s29] =	ssyncadd.s32 $0xFFFFC000  }
0xc5: {  	[spmem:s3] =	stream.indirect.scatter.add.f32 [tilespmem:s21], [sflag:$0x5], $0x80, s23, s23, $0xb8;
	[tilespmem:$0x18300] =	vst v63  }
0xc6: {  	s8 =	stileid.u32;
	_ =	swait.ge [sflag:s22], $0x4000  }
0xc7: {  	s9 =	sshrl.u32 s7, $0x3;
	s0 =	sadd.s32 $0x1, s0;
	[sflag:s22] =	ssyncset.done $0x0  }
0xc8: {  	s8 =	sshll.u32 s8, $0x6;
	p0 =	sne.s32 s0, s17;
	[sflag:s22] =	ssyncadd.s32 $0xFFFFC000  }
.Ltmp2:
0xc9: {  	s8 =	sor.u32 $0x1C05, s8;
	[bflag:$0x0] =	sbarrier.arrive $0xFFFF;
	(pc) =	sbr.rel @p0 .LBB2_1-.Ltmp2, $4  }
0xca: {  	[hbm:s16], [sflag:s8] =	dma.local [spmem:s9], $0x2800  }
0xcb: {  	_ =	swait.ge [sflag:s22], $0x2800  }
0xcc: {  	[sflag:s22] =	ssyncset.done $0x0  }
0xcd: {  	[sflag:s22] =	ssyncadd.s32 $0xFFFFD800  }
0xce: {  	_ =	sfence.sel $0x180000  }
0xcf: {  	[bflag:$0x0] =	sbarrier.arrive $0xFFFF  }
0xd0: {  	_ =	strace $0x9000004A  }
0xd1: {  	s0 =	stileid.u32;
	[bflag:$0x2] =	sbarrier.arrive $0xFFFF  }
0xd2: {  	p0 =	sne.s32 s0, $0x0;
	s0 =	rddreg [dreg:$0x3]  }
0xd3: {  	s0 =	sadd.s32 @!p0 $0x100000, s0  }
0xd4: {  	[sflag:s0] =	ssyncadd.tile.s32 @!p0 $0x1;
	_ =	shalt  }
.Lfunc_end2:
_tile_overlayer_lowered:
.L_overlay_start_2:
0xd5: {  	(tag) =	ssettag $0x2  }
0xd6: {  	s0 =	rddreg [dreg:$0x0];
	s2 =	stileid.u32  }
0xd7: {  	s1 =	rddreg [dreg:$0x1];
	p0 =	sne.s32 s2, $0x0  }
0xd8: {  	s3 =	rddreg [dreg:$0x2];
	[bflag:$0x3] =	sbarrier.arrive $0xFFFF;
	s2 =	simm.s32 @!p0 $0x1C05  }
0xd9: {  	[timem:s3], [sflag:s2] =	dma.local @!p0 [hbm:s0], s1  }
0xda: {  	s0 =	simm.s32 @!p0 $0x5  }
0xdb: {  	_ =	swait.ge @!p0 [sflag:s0], s1  }
0xdc: {  	s1 =	ssub.s32 @!p0 $0x0, s1;
	[sflag:s0] =	ssyncset.done @!p0 $0x0  }
0xdd: {  	[sflag:s0] =	ssyncadd.s32 @!p0 s1  }
0xde: {  	[bflag:$0x3] =	sbarrier.arrive $0xFFFF  }
0xdf: {  	_ =	shalt  }

// kernel: kernel.15.cloned.1.call-start
scs
__scs_entry_jumppad:
0x0: {  	(pc) =	sbr.rel $0x88, $3  }
0x1: {  	(tag) =	ssettag $0x0;
	lr =	simm.s32 $0x1  }
0x2: {  	[smem:$0x3F99] =	sst lr;
	_ =	strace $0xD0000000  }
0x3: {  	_ = 	snop  }
0x4: {  	_ = 	snop  }
0x5: {  	_ = 	snop  }
0x6: {  	_ = 	snop  }
0x7: {  	_ = 	snop  }
__scs_overlays_trampoline_lowered:
0x8: {  	[smem:$0x3FA8] =	sst s0  }
0x9: {  	[smem:$0x3FA9] =	sst s1  }
0xa: {  	[smem:$0x3FAA] =	sst s2  }
0xb: {  	[smem:$0x3FAB] =	sst s3  }
0xc: {  	[smem:$0x3FAC] =	sst s4  }
0xd: {  	[smem:$0x3FAD] =	sst s5  }
0xe: {  	[smem:$0x3FAE] =	sst s6  }
0xf: {  	[smem:$0x3FAF] =	sst s7  }
0x10: {  	[smem:$0x3FB0] =	sst s8  }
0x11: {  	[smem:$0x3FB1] =	sst s9;
	s0 =	simm.s32 @!p0 $0x0  }
0x12: {  	s1 =	sld [smem:$0x3F97];
	s0 =	simm.s32 @p0 $0x1  }
0x13: {  	[smem:$0x3FB2] =	sst s0;
	s0 =	simm.s32 @!p1 $0x0  }
0x14: {  	s2 =	sld [smem:$0x3F96];
	s0 =	simm.s32 @p1 $0x1  }
0x15: {  	[smem:$0x3FB3] =	sst s0;
	s0 =	simm.s32 @!p2 $0x0  }
0x16: {  	s3 =	sld [smem:$0x3FDB];
	s0 =	simm.s32 @p2 $0x1  }
0x17: {  	s4 =	simm.s32 $0x1BF5;
	[smem:$0x3FB5] =	sst s0  }
0x18: {  	s0 =	sld [smem:$0x3F98];
	_ =	swait.ge [sflag:s4], $0x0  }
0x19: {  	s7 =	sld [smem:$0x3F99]  }
0x1a: {  	s8 =	sadd.s32 $0xFFFFE003, lr  }
0x1b: {  	s9 =	sadd.s32 $0xFFFFFEF7, lr;
	s5 =	simm.s32 $0xFFFFFFFF;
	p2 =	slt.u32 s8, $0xFFFFF086  }
0x1c: {  	p1 =	slt.u32 s9, $0xF7A;
	s5 =	simm.s32 @!p2 $0x0  }
0x1d: {  	s5 =	simm.s32 @p1 $0x1;
	p0 =	seq.s32 s7, s2  }
0x1e: {  	s7 =	smul.u32 @!p0 $0xF7A, s2;
	p2 =	seq.s32 @!p0 s5, $0x0  }
0x1f: {  	s9 =	smul.u32 $0xF7A, s1;
	s8 =	simm.s32 @!p0 $0x1BF5;
	p2 =	por !p2, p0  }
0x20: {  	[sflag:s8] =	ssyncset.s32 @!p0 $0xFFFFF086;
	s6 =	sadd.s32 @!p0 s3, s7;
	s7 =	simm.s32 @!p0 $0x108  }
0x21: {  	s3 =	sadd.s32 s3, s9;
	s6 =	sadd.s32 @!p0 $0x88, s6;
	s7 =	simm.s32 @p2 $0x1082  }
0x22: {  	[simem:s7], [sflag:s8] =	dma.local @!p0 [hbm:s6], $0xF7A  }
0x23: {  	s9 =	sor.u32 $0xD0000000, s2;
	s6 =	simm.s32 $0x108;
	_ =	swait.ge @!p0 [sflag:s8], $0x0  }
0x24: {  	s3 =	sadd.s32 $0x88, s3;
	s6 =	simm.s32 @!p1 $0x1082;
	[sflag:s4] =	ssyncset.s32 $0xFFFFF086  }
0x25: {  	[simem:s6], [sflag:s4] =	dma.local [hbm:s3], $0xF7A  }
0x26: {  	[smem:$0x3F99] =	sst s1;
	(tag) =	ssettag s2;
	_ =	strace s9  }
0x27: {  	s1 =	sld [smem:$0x3FA9]  }
0x28: {  	s2 =	sld [smem:$0x3FAA]  }
0x29: {  	s4 =	sld [smem:$0x3FAC]  }
0x2a: {  	p0 =	seq.s32 s5, $0x0;
	s5 =	sld [smem:$0x3FAD]  }
0x2b: {  	s6 =	sld [smem:$0x3FAE]  }
0x2c: {  	s7 =	sld [smem:$0x3FAF]  }
0x2d: {  	s3 =	simm.s32 $0x108;
	s8 =	sld [smem:$0x3FB0]  }
0x2e: {  	s3 =	simm.s32 @!p0 $0x1082;
	s9 =	sld [smem:$0x3FB1]  }
0x2f: {  	lr =	sadd.s32 s0, s3;
	s0 =	sld [smem:$0x3FA8]  }
0x30: {  	s3 =	sld [smem:$0x3FAB]  }
0x31: {  	[smem:$0x3FB4] =	sst s10  }
0x32: {  	s10 =	sld [smem:$0x3FB2];
	_ =	sdelay $0x3  }
0x33: {  	p0 =	seq.s32 s10, $0x1;
	s10 =	sld [smem:$0x3FB4];
	_ =	sdelay $0x3  }
0x34: {  	[smem:$0x3FB4] =	sst s10  }
0x35: {  	s10 =	sld [smem:$0x3FB3];
	_ =	sdelay $0x3  }
0x36: {  	p1 =	seq.s32 s10, $0x1;
	s10 =	sld [smem:$0x3FB4];
	_ =	sdelay $0x3  }
0x37: {  	[smem:$0x3FB4] =	sst s10  }
0x38: {  	s10 =	sld [smem:$0x3FB5]  }
0x39: {  	_ = 	snop;
	(pc) =	sbr.ind lr, $3  }
0x3a: {  	_ = 	snop  }
0x3b: {  	_ = 	snop  }
0x3c: {  	p2 =	seq.s32 s10, $0x1;
	s10 =	sld [smem:$0x3FB4]  }
0x3d: {  	_ =	shalt  }
0x3e: {  	_ =	shalt  }
0x3f: {  	_ =	shalt  }
0x40: {  	_ =	shalt  }
0x41: {  	_ =	shalt  }
0x42: {  	_ =	shalt  }
0x43: {  	_ =	shalt  }
0x44: {  	_ =	shalt  }
0x45: {  	_ =	shalt  }
0x46: {  	_ =	shalt  }
0x47: {  	_ =	shalt  }
0x48: {  	_ =	shalt  }
0x49: {  	_ =	shalt  }
0x4a: {  	_ =	shalt  }
0x4b: {  	_ =	shalt  }
0x4c: {  	_ =	shalt  }
0x4d: {  	_ =	shalt  }
0x4e: {  	_ =	shalt  }
0x4f: {  	_ =	shalt  }
0x50: {  	_ =	shalt  }
0x51: {  	_ =	shalt  }
0x52: {  	_ =	shalt  }
0x53: {  	_ =	shalt  }
0x54: {  	_ =	shalt  }
0x55: {  	_ =	shalt  }
0x56: {  	_ =	shalt  }
0x57: {  	_ =	shalt  }
0x58: {  	_ =	shalt  }
0x59: {  	_ =	shalt  }
0x5a: {  	_ =	shalt  }
0x5b: {  	_ =	shalt  }
0x5c: {  	_ =	shalt  }
0x5d: {  	_ =	shalt  }
0x5e: {  	_ =	shalt  }
0x5f: {  	_ =	shalt  }
0x60: {  	_ =	shalt  }
0x61: {  	_ =	shalt  }
0x62: {  	_ =	shalt  }
0x63: {  	_ =	shalt  }
0x64: {  	_ =	shalt  }
0x65: {  	_ =	shalt  }
0x66: {  	_ =	shalt  }
0x67: {  	_ =	shalt  }
0x68: {  	_ =	shalt  }
0x69: {  	_ =	shalt  }
0x6a: {  	_ =	shalt  }
0x6b: {  	_ =	shalt  }
0x6c: {  	_ =	shalt  }
0x6d: {  	_ =	shalt  }
0x6e: {  	_ =	shalt  }
0x6f: {  	_ =	shalt  }
0x70: {  	_ =	shalt  }
0x71: {  	_ =	shalt  }
0x72: {  	_ =	shalt  }
0x73: {  	_ =	shalt  }
0x74: {  	_ =	shalt  }
0x75: {  	_ =	shalt  }
0x76: {  	_ =	shalt  }
0x77: {  	_ =	shalt  }
0x78: {  	_ =	shalt  }
0x79: {  	_ =	shalt  }
0x7a: {  	_ =	shalt  }
0x7b: {  	_ =	shalt  }
0x7c: {  	_ =	shalt  }
0x7d: {  	_ =	shalt  }
0x7e: {  	_ =	shalt  }
0x7f: {  	_ =	shalt  }
0x80: {  	_ =	shalt  }
0x81: {  	_ =	shalt  }
0x82: {  	_ =	shalt  }
0x83: {  	_ =	shalt  }
0x84: {  	_ =	shalt  }
0x85: {  	_ =	shalt  }
0x86: {  	_ =	shalt  }
0x87: {  	_ =	shalt  }
.Lfunc_end0:
.L_simem_size_0:
called_computation.2_lowered:
.L_overlay_start_0:
0x88: {  	s2 =	sld [smem:$0x3FD9]  }
0x89: {  	s3 =	sld [smem:$0x3FFE];
	_ =	sdelay $0x1  }
0x8a: {  	s1 =	srdreg.scid  }
0x8b: {  	s0 =	sand.u32 $0x1, s1  }
0x8c: {  	s17 =	sshll.u32 s0, $0xA;
	s2 =	sadd.s32 s3, s2  }
0x8d: {  	s2 =	sadd.s32 s2, s17  }
0x8e: {  	[smem:$0x3FC0] =	sst s2  }
0x8f: {  	_ = 	snop  }
0x90: {  	s2 =	sld [smem:$0x3FD0];
	(tm) =	ssettm $0x1  }
0x91: {  	s18 =	sld [smem:$0x3FFB];
	_ =	sdelay $0x3  }
0x92: {  	_ =	strace s18  }
0x93: {  	s3 =	sld [smem:$0x3FFC];
	_ =	sdelay $0x3  }
0x94: {  	_ =	strace s3  }
0x95: {  	s3 =	sld [smem:$0x3FFD];
	_ =	sdelay $0x3  }
0x96: {  	_ =	strace s3  }
0x97: {  	_ =	strace $0x8FFFFFFF  }
0x98: {  	s19 =	sld [smem:$0x3FDB];
	_ =	sdelay $0x1  }
0x99: {  	s4 =	simm.s32 $_scs_section_size  }
0x9a: {  	s5 =	simm.s32 $_size__tile_overlayer_lowered;
	s6 =	simm.s32 $_tile_overlayer_lowered  }
0x9b: {  	s22 =	simm.s32 $0x1BFF;
	s21 =	sshll.u32 s6, $0x1;
	s3 =	sadd.s32 s4, s19  }
0x9c: {  	s7 =	simm.s32 $0x0;
	s20 =	sshll.u32 s5, $0x1;
	s5 =	sadd.s32 s21, s3  }
0x9d: {  	[timem:s7], [sflag:s22] =	dma.local [hbm:s5], s20  }
0x9e: {  	_ =	swait.ge [sflag:s22], s20  }
0x9f: {  	s4 =	ssub.s32 $0x0, s20;
	[sflag:s22] =	ssyncset.done $0x0  }
0xa0: {  	[sflag:s22] =	ssyncadd.s32 s4;
	_ =	sdelay $0x1  }
0xa1: {  	s23 =	simm.s32 $0x1B8B  }
0xa2: {  	_ =	swait.ge [sflag:s23], $0x1  }
0xa3: {  	[sflag:s23] =	ssyncset.done $0x0  }
0xa4: {  	s25 =	simm.s32 $0x1B8E;
	s24 =	sld [smem:$0x3FFE];
	[sflag:s23] =	ssyncadd.s32 $0xFFFFFFFF  }
0xa5: {  	s26 =	simm.s32 $execute0_lowered;
	[smem:$0x3FD2] =	sst s25  }
0xa6: {  	s5 =	sshll.u32 s26, $0x1;
	_ =	strace $0x8000004C;
	[dreg:$0x1] =	wrdreg $0xFFFFFFFF  }
0xa7: {  	s28 =	simm.s32 $_size_execute0_lowered;
	s3 =	sadd.s32 s3, s5;
	[dreg:$0x0] =	wrdreg $0x0  }
0xa8: {  	s5 =	sshll.u32 s28, $0x1;
	[dreg:$0x2] =	wrdreg s3  }
0xa9: {  	[dreg:$0x3] =	wrdreg s5  }
0xaa: {  	[dreg:$0x4] =	wrdreg $0xC0  }
0xab: {  	_ =	task [dreg:s7], $0x5FFFF  }
0xac: {  	[dreg:$0x1] =	wrdreg $0xFFFFFFFF  }
0xad: {  	[dreg:$0x0] =	wrdreg $0x60  }
0xae: {  	[dreg:$0x2] =	wrdreg s24  }
0xaf: {  	[dreg:$0x3] =	wrdreg s2  }
0xb0: {  	[dreg:$0x4] =	wrdreg $0x43000  }
0xb1: {  	[dreg:$0x5] =	wrdreg $0x9  }
0xb2: {  	_ =	task.clear_ibuf [dreg:s7], $0x6FFFF;
	_ =	strace $0x9000004C  }
0xb3: {  	s29 =	simm.s32 $0x9;
	_ =	strace $0x8000004E  }
0xb4: {  	_ =	swait.ge [sflag:s29], $0x1  }
0xb5: {  	[sflag:s29] =	ssyncadd.s32 $0xFFFFFFFF  }
0xb6: {  	_ =	strace $0x9000004E  }
0xb7: {  	_ =	sfence  }
0xb8: {  	s30 =	sld [smem:$0x0];
	_ =	sdelay $0x2  }
0xb9: {  	s31 =	sshll.u32 s1, $0xD;
	s1 =	sshrl.u32 s1, $0x2  }
0xba: {  	s3 =	sand.u32 $0x4000, s31;
	s1 =	sadd.s32 s1, s30  }
0xbb: {  	s0 =	sor.u32 s3, s0;
	s1 =	sshll.u32 s1, $0x11  }
0xbc: {  	s0 =	sor.u32 s1, s0  }
0xbd: {  	s0 =	sadd.s32 $0x8F2B, s0  }
0xbe: {  	[sflag:s0] =	ssyncadd.remote.s32 $0x1  }
0xbf: {  	_ =	sfence.sel $0xFFFF  }
0xc0: {  	[dreg:$0x0] =	wrdreg $0xFFFFFFFF;
	(pc) =	sbr.abs _section_cstart, $3  }
0xc1: {  	[dreg:$0x1] =	wrdreg $0xFFFFFFFF  }
0xc2: {  	_ =	task.clear_ibuf [dreg:s7], $0x2FFFF;
	_ =	strace $0x9FFFFFFF  }
0xc3: {  	(tm) =	ssettm $0x7FFFFFFF  }
tec
execute0_lowered:
.L_overlay_start_1:
0x0: {  	(tag) =	ssettag $0x1  }
0x1: {  	s0 =	rddreg [dreg:$0x0]  }
0x2: {  	s2 =	rddreg [dreg:$0x1];
	s1 =	srdreg.scid  }
0x3: {  	s12 =	stileid.u32;
	s3 =	rddreg [dreg:$0x2]  }
0x4: {  	s4 =	simm.s32 $0x0;
	s28 =	simm.s32 $0x3;
	s5 =	smul.u32 $0x2800, s12  }
0x5: {  	s29 =	simm.s32 $0x1;
	s30 =	simm.s32 $0x200;
	s8 =	smul.u32 $0x50000, s12  }
0x6: {  	s1 =	sand.u32 $0x1, s1;
	[smem:$0x7FF] =	sst s4;
	s21 =	smul.u32 $0x2780, s12  }
0x7: {  	s31 =	simm.s32 $0x280;
	s6 =	smul.u32 $0x28000, s1;
	_ =	strace $0x8000004D  }
0x8: {  	s9 =	ssub.s32 $0x2, s1;
	s13 =	sshll.u32 s1, $0x4;
	s1 =	smul.u32 $0x27800, s1  }
0x9: {  	s8 =	sshrl.u32 s8, $0x2;
	s10 =	sshrl.u32 s9, $0x1;
	s11 =	sor.u32 s12, s13  }
0xa: {  	s7 =	sadd.s32 s5, s6;
	s5 =	sadd.s32 $0xCA00, s0;
	s6 =	sadd.s32 $0x2C00, s0  }
0xb: {  	s14 =	ssub.s32 s9, s10;
	s16 =	smul.u32 $0x2780, s11;
	s1 =	sadd.s32 s21, s1  }
0xc: {  	s21 =	simm.s32 $0x300;
	s0 =	sadd.s32 s7, s0;
	s7 =	sadd.s32 s8, s3  }
0xd: {  	s25 =	sadd.s32 $0x100, s1;
	s15 =	sadd.s32 $0x4000, s7;
	s17 =	sadd.s32 $0x8000, s7  }
0xe: {  	s18 =	sadd.s32 $0xC000, s7;
	s19 =	sadd.s32 $0x10000, s7;
	[dreg:$0x5] =	wrdreg s15  }
0xf: {  	s20 =	sshrl.u32 s16, $0x3;
	s9 =	sadd.s32 $0x200, s16;
	[dreg:$0x6] =	wrdreg s17  }
0x10: {  	s16 =	sadd.s32 $0x34A00, s0;
	s26 =	sshrl.u32 s25, $0x3;
	[dreg:$0x7] =	wrdreg s18  }
0x11: {  	s25 =	simm.s32 $0x100;
	s0 =	simm.s32 $0x0;
	[dreg:$0x8] =	wrdreg s19  }
0x12: {  	s22 =	sadd.s32 s2, s20;
	s23 =	sadd.s32 s6, s20;
	s10 =	sadd.s32 $0x10, s20  }
0x13: {  	[dreg:$0x4] =	wrdreg s9;
	s17 =	smax.u32 s14, $0x1;
	s11 =	sadd.s32 s26, s6  }
0x14: {  	s20 =	sadd.s32 s26, s2;
	s26 =	simm.s32 $0x180;
	[dreg:$0x9] =	wrdreg s22  }
0x15: {  	[dreg:$0xa] =	wrdreg s23;
	s24 =	sadd.s32 s2, s10;
	s15 =	sadd.s32 s6, s10  }
0x16: {  	s10 =	sadd.s32 $0x180, s1;
	s22 =	simm.s32 $0x5;
	s23 =	simm.s32 $0x80  }
0x17: {  	v0 =	vimm.f32 $0.0e+00;
	s1 =	simm.s32 $0x4;
	[dreg:$0xb] =	wrdreg s24;
	s24 =	simm.s32 $0x2  }
.LBB2_1:
0x18: {  	s8 =	simm.s32 $0x0;
	s9 =	simm.s32 $0x200  }
.LBB2_2:
0x19: {  	p0 =	sne.s32 s9, $0xFE00;
	[tilespmem:s8+$0x370] =	vst v0  }
0x1a: {  	[tilespmem:s8+$0x300] =	vst v0  }
0x1b: {  	[tilespmem:s8+$0x310] =	vst v0  }
.Ltmp0:
0x1c: {  	[tilespmem:s8+$0x320] =	vst v0;
	(pc) =	sbr.rel @p0 .LBB2_2-.Ltmp0, $4  }
0x1d: {  	[tilespmem:s8+$0x330] =	vst v0  }
0x1e: {  	[tilespmem:s8+$0x340] =	vst v0  }
0x1f: {  	[tilespmem:s8+$0x350] =	vst v0  }
0x20: {  	[tilespmem:s8+$0x360] =	vst v0;
	s8 =	sshra.s32 s9, $0x2;
	s9 =	sadd.s32 $0x200, s9  }
0x21: {  	[tilespmem:s8+$0x370] =	vst v0  }
0x22: {  	[tilespmem:s8+$0x300] =	vst v0  }
0x23: {  	[tilespmem:s8+$0x310] =	vst v0  }
0x24: {  	[tilespmem:s8+$0x320] =	vst v0  }
0x25: {  	[tilespmem:s8+$0x330] =	vst v0  }
0x26: {  	[tilespmem:s8+$0x340] =	vst v0  }
0x27: {  	[tilespmem:s8+$0x350] =	vst v0  }
0x28: {  	[tilespmem:s8+$0x360] =	vst v0  }
0x29: {  	[spmem:s7] =	stream.linear.scatter [tilespmem:s21], [sflag:$0x5], $0x4000, $0x38;
	[tilespmem:$0x18300] =	vst v63  }
0x2a: {  	_ =	swait.ge [sflag:s22], $0x4000  }
0x2b: {  	[sflag:s22] =	ssyncset.done $0x0  }
0x2c: {  	s12 =	rddreg [dreg:$0x5];
	[sflag:s22] =	ssyncadd.s32 $0xFFFFC000  }
0x2d: {  	[spmem:s12] =	stream.linear.scatter [tilespmem:s21], [sflag:$0x5], $0x4000, $0x38;
	[tilespmem:$0x18300] =	vst v63  }
0x2e: {  	_ =	swait.ge [sflag:s22], $0x4000  }
0x2f: {  	[sflag:s22] =	ssyncset.done $0x0  }
0x30: {  	s13 =	rddreg [dreg:$0x6];
	[sflag:s22] =	ssyncadd.s32 $0xFFFFC000  }
0x31: {  	[spmem:s13] =	stream.linear.scatter [tilespmem:s21], [sflag:$0x5], $0x4000, $0x38;
	[tilespmem:$0x18300] =	vst v63  }
0x32: {  	_ =	swait.ge [sflag:s22], $0x4000  }
0x33: {  	[sflag:s22] =	ssyncset.done $0x0  }
0x34: {  	s14 =	rddreg [dreg:$0x7];
	[sflag:s22] =	ssyncadd.s32 $0xFFFFC000  }
0x35: {  	[spmem:s14] =	stream.linear.scatter [tilespmem:s21], [sflag:$0x5], $0x4000, $0x38;
	[tilespmem:$0x18300] =	vst v63  }
0x36: {  	_ =	swait.ge [sflag:s22], $0x4000  }
0x37: {  	[sflag:s22] =	ssyncset.done $0x0  }
0x38: {  	s18 =	rddreg [dreg:$0x8];
	[sflag:s22] =	ssyncadd.s32 $0xFFFFC000  }
0x39: {  	[spmem:s18] =	stream.linear.scatter [tilespmem:s21], [sflag:$0x5], $0x4000, $0x38;
	[tilespmem:$0x18300] =	vst v63  }
0x3a: {  	_ =	swait.ge [sflag:s22], $0x4000  }
0x3b: {  	[sflag:s22] =	ssyncset.done $0x0  }
0x3c: {  	[sflag:s22] =	ssyncadd.s32 $0xFFFFC000  }
0x3d: {  	[bflag:$0x0] =	sbarrier.arrive $0xFFFF  }
0x3e: {  	s19 =	simm.s32 $0x0;
	s9 =	rddreg [dreg:$0x9]  }
0x3f: {  	[tilespmem:s19], [sflag:$0x2] =	stream.linear.gather [hbm4b:s9+s19], $0x80, $0x38;
	[tilespmem:$0x18300] =	vst v63  }
0x40: {  	s12 =	rddreg [dreg:$0xa]  }
0x41: {  	[tilespmem:s23], [sflag:$0x2] =	stream.linear.gather [hbm4b:s12+s19], $0x80, $0x38;
	[tilespmem:$0x18300] =	vst v63  }
0x42: {  	_ =	swait.ge [sflag:s24], $0x80  }
0x43: {  	[sflag:s24] =	ssyncset.done $0x0  }
0x44: {  	[sflag:s24] =	ssyncadd.s32 $0xFFFFFF80  }
0x45: {  	_ =	swait.ge [sflag:s24], $0x80  }
0x46: {  	[sflag:s24] =	ssyncset.done $0x0  }
0x47: {  	s13 =	rddreg [dreg:$0xb];
	[sflag:s24] =	ssyncadd.s32 $0xFFFFFF80  }
0x48: {  	[tilespmem:s25], [sflag:$0x3] =	stream.linear.gather [hbm4b:s13+s19], $0x80, $0x38;
	[tilespmem:$0x18300] =	vst v63  }
0x49: {  	_ = 	snop  }
0x4a: {  	[tilespmem:s26], [sflag:$0x3] =	stream.linear.gather [hbm4b:s15+s19], $0x80, $0x38;
	[tilespmem:$0x18300] =	vst v63  }
0x4b: {  	_ =	swait.ge [sflag:s28], $0x80  }
0x4c: {  	[sflag:s28] =	ssyncset.done $0x0  }
0x4d: {  	[sflag:s28] =	ssyncadd.s32 $0xFFFFFF80  }
0x4e: {  	_ =	swait.ge [sflag:s28], $0x80  }
0x4f: {  	[sflag:s28] =	ssyncset.done $0x0  }
0x50: {  	[sflag:s28] =	ssyncadd.s32 $0xFFFFFF80  }
0x51: {  	[tilespmem:s21], [sflag:$0x1] =	stream.indirect.gather [hbm4b:s5+s23], $0x80, s4, s23, $0xb8;
	[tilespmem:$0x18300] =	vst v63  }
0x52: {  	_ =	swait.ge [sflag:s29], $0x4000  }
0x53: {  	[sflag:s29] =	ssyncset.done $0x0  }
0x54: {  	[sflag:s29] =	ssyncadd.s32 $0xFFFFC000  }
0x55: {  	[tilespmem:s30], [sflag:$0x4] =	stream.linear.gather [hbm4b:s20+s4], $0x80, $0x38;
	[tilespmem:$0x18300] =	vst v63  }
0x56: {  	_ = 	snop  }
0x57: {  	[tilespmem:s31], [sflag:$0x4] =	stream.linear.gather [hbm4b:s11+s4], $0x80, $0x38;
	[tilespmem:$0x18300] =	vst v63  }
0x58: {  	_ = 	snop  }
0x59: {  	[spmem:s3] =	stream.indirect.scatter.add.f32 [tilespmem:s21], [sflag:$0x5], $0x80, s23, s23, $0xb8;
	[tilespmem:$0x18300] =	vst v63  }
0x5a: {  	_ =	swait.ge [sflag:s22], $0x4000  }
0x5b: {  	[sflag:s22] =	ssyncset.done $0x0  }
0x5c: {  	[sflag:s22] =	ssyncadd.s32 $0xFFFFC000  }
0x5d: {  	_ =	swait.ge [sflag:s1], $0x80  }
0x5e: {  	[sflag:s1] =	ssyncset.done $0x0  }
0x5f: {  	[sflag:s1] =	ssyncadd.s32 $0xFFFFFF80  }
0x60: {  	_ =	swait.ge [sflag:s1], $0x80  }
0x61: {  	[sflag:s1] =	ssyncset.done $0x0  }
0x62: {  	[sflag:s1] =	ssyncadd.s32 $0xFFFFFF80  }
0x63: {  	[tilespmem:s21], [sflag:$0x1] =	stream.indirect.gather [hbm4b:s5+s23], $0x80, s25, s23, $0xb8;
	[tilespmem:$0x18300] =	vst v63  }
0x64: {  	_ =	swait.ge [sflag:s29], $0x4000  }
0x65: {  	s14 =	sshrl.u32 s10, $0x3;
	[sflag:s29] =	ssyncset.done $0x0  }
0x66: {  	s12 =	sadd.s32 s2, s14;
	[sflag:s29] =	ssyncadd.s32 $0xFFFFC000  }
0x67: {  	[tilespmem:s4], [sflag:$0x2] =	stream.linear.gather [hbm4b:s12+s4], $0x80, $0x38;
	[tilespmem:$0x18300] =	vst v63  }
0x68: {  	s9 =	sadd.s32 s6, s14  }
0x69: {  	[tilespmem:s23], [sflag:$0x2] =	stream.linear.gather [hbm4b:s9+s4], $0x80, $0x38;
	[tilespmem:$0x18300] =	vst v63  }
0x6a: {  	_ = 	snop  }
0x6b: {  	[spmem:s3] =	stream.indirect.scatter.add.f32 [tilespmem:s21], [sflag:$0x5], $0x80, s26, s23, $0xb8;
	[tilespmem:$0x18300] =	vst v63  }
0x6c: {  	_ =	swait.ge [sflag:s22], $0x4000  }
0x6d: {  	[sflag:s22] =	ssyncset.done $0x0  }
0x6e: {  	[sflag:s22] =	ssyncadd.s32 $0xFFFFC000  }
0x6f: {  	_ =	swait.ge [sflag:s24], $0x80  }
0x70: {  	[sflag:s24] =	ssyncset.done $0x0  }
0x71: {  	[sflag:s24] =	ssyncadd.s32 $0xFFFFFF80  }
0x72: {  	_ =	swait.ge [sflag:s24], $0x80  }
0x73: {  	[sflag:s24] =	ssyncset.done $0x0  }
0x74: {  	[sflag:s24] =	ssyncadd.s32 $0xFFFFFF80  }
0x75: {  	[tilespmem:s21], [sflag:$0x1] =	stream.indirect.gather [hbm4b:s5+s23], $0x80, s30, s23, $0xb8;
	[tilespmem:$0x18300] =	vst v63  }
0x76: {  	s8 =	smin.u32 s19, $0x4A;
	_ =	swait.ge [sflag:s29], $0x4000  }
0x77: {  	s8 =	sshll.u32 s8, $0x7;
	s18 =	rddreg [dreg:$0x4]  }
0x78: {  	s8 =	sadd.s32 s8, s18  }
0x79: {  	[sflag:s29] =	ssyncset.done $0x0;
	s8 =	sshrl.u32 s8, $0x3  }
0x7a: {  	[sflag:s29] =	ssyncadd.s32 $0xFFFFC000;
	s19 =	sadd.s32 s2, s8  }
0x7b: {  	[tilespmem:s25], [sflag:$0x3] =	stream.linear.gather [hbm4b:s19+s4], $0x80, $0x38;
	[tilespmem:$0x18300] =	vst v63  }
0x7c: {  	s8 =	sadd.s32 s6, s8  }
0x7d: {  	[tilespmem:s26], [sflag:$0x3] =	stream.linear.gather [hbm4b:s8+s4], $0x80, $0x38;
	[tilespmem:$0x18300] =	vst v63  }
0x7e: {  	_ = 	snop  }
0x7f: {  	[spmem:s3] =	stream.indirect.scatter.add.f32 [tilespmem:s21], [sflag:$0x5], $0x80, s31, s23, $0xb8;
	[tilespmem:$0x18300] =	vst v63  }
0x80: {  	_ =	swait.ge [sflag:s22], $0x4000  }
0x81: {  	[sflag:s22] =	ssyncset.done $0x0  }
0x82: {  	[sflag:s22] =	ssyncadd.s32 $0xFFFFC000  }
0x83: {  	_ =	swait.ge [sflag:s28], $0x80  }
0x84: {  	[sflag:s28] =	ssyncset.done $0x0  }
0x85: {  	[sflag:s28] =	ssyncadd.s32 $0xFFFFFF80  }
0x86: {  	s9 =	sadd.s32 $0x30, s20;
	s18 =	smov.u32 s10;
	_ =	swait.ge [sflag:s28], $0x80  }
0x87: {  	s19 =	smov.u32 s11;
	s8 =	simm.s32 $0x3;
	[sflag:s28] =	ssyncset.done $0x0  }
.LBB2_4:
0x88: {  	[sflag:s28] =	ssyncadd.s32 $0xFFFFFF80  }
0x89: {  	[tilespmem:s21], [sflag:$0x1] =	stream.indirect.gather [hbm4b:s5+s23], $0x80, s4, s23, $0xb8;
	[tilespmem:$0x18300] =	vst v63  }
0x8a: {  	_ =	swait.ge [sflag:s29], $0x4000  }
0x8b: {  	[sflag:s29] =	ssyncset.done $0x0  }
0x8c: {  	[sflag:s29] =	ssyncadd.s32 $0xFFFFC000  }
0x8d: {  	[tilespmem:s30], [sflag:$0x4] =	stream.linear.gather [hbm4b:s9+s4], $0x80, $0x38;
	[tilespmem:$0x18300] =	vst v63  }
0x8e: {  	s19 =	sadd.s32 $0x30, s19  }
0x8f: {  	[tilespmem:s31], [sflag:$0x4] =	stream.linear.gather [hbm4b:s19+s4], $0x80, $0x38;
	[tilespmem:$0x18300] =	vst v63  }
0x90: {  	_ = 	snop  }
0x91: {  	[spmem:s3] =	stream.indirect.scatter.add.f32 [tilespmem:s21], [sflag:$0x5], $0x80, s23, s23, $0xb8;
	[tilespmem:$0x18300] =	vst v63  }
0x92: {  	_ =	swait.ge [sflag:s22], $0x4000  }
0x93: {  	[sflag:s22] =	ssyncset.done $0x0  }
0x94: {  	[sflag:s22] =	ssyncadd.s32 $0xFFFFC000  }
0x95: {  	_ =	swait.ge [sflag:s1], $0x80  }
0x96: {  	[sflag:s1] =	ssyncset.done $0x0  }
0x97: {  	[sflag:s1] =	ssyncadd.s32 $0xFFFFFF80  }
0x98: {  	_ =	swait.ge [sflag:s1], $0x80  }
0x99: {  	[sflag:s1] =	ssyncset.done $0x0  }
0x9a: {  	[sflag:s1] =	ssyncadd.s32 $0xFFFFFF80  }
0x9b: {  	[tilespmem:s21], [sflag:$0x1] =	stream.indirect.gather [hbm4b:s5+s23], $0x80, s25, s23, $0xb8;
	[tilespmem:$0x18300] =	vst v63  }
0x9c: {  	s18 =	sadd.s32 $0x180, s18;
	_ =	swait.ge [sflag:s29], $0x4000  }
0x9d: {  	s13 =	sshrl.u32 s18, $0x3;
	[sflag:s29] =	ssyncset.done $0x0  }
0x9e: {  	s14 =	sadd.s32 s2, s13;
	[sflag:s29] =	ssyncadd.s32 $0xFFFFC000  }
0x9f: {  	[tilespmem:s4], [sflag:$0x2] =	stream.linear.gather [hbm4b:s14+s4], $0x80, $0x38;
	[tilespmem:$0x18300] =	vst v63  }
0xa0: {  	s13 =	sadd.s32 s6, s13  }
0xa1: {  	[tilespmem:s23], [sflag:$0x2] =	stream.linear.gather [hbm4b:s13+s4], $0x80, $0x38;
	[tilespmem:$0x18300] =	vst v63  }
0xa2: {  	_ = 	snop  }
0xa3: {  	[spmem:s3] =	stream.indirect.scatter.add.f32 [tilespmem:s21], [sflag:$0x5], $0x80, s26, s23, $0xb8;
	[tilespmem:$0x18300] =	vst v63  }
0xa4: {  	_ =	swait.ge [sflag:s22], $0x4000  }
0xa5: {  	[sflag:s22] =	ssyncset.done $0x0  }
0xa6: {  	[sflag:s22] =	ssyncadd.s32 $0xFFFFC000  }
0xa7: {  	_ =	swait.ge [sflag:s24], $0x80  }
0xa8: {  	[sflag:s24] =	ssyncset.done $0x0  }
0xa9: {  	[sflag:s24] =	ssyncadd.s32 $0xFFFFFF80  }
0xaa: {  	_ =	swait.ge [sflag:s24], $0x80  }
0xab: {  	[sflag:s24] =	ssyncset.done $0x0  }
0xac: {  	s12 =	smov.u32 s8;
	[sflag:s24] =	ssyncadd.s32 $0xFFFFFF80  }
0xad: {  	[tilespmem:s21], [sflag:$0x1] =	stream.indirect.gather [hbm4b:s5+s23], $0x80, s30, s23, $0xb8;
	[tilespmem:$0x18300] =	vst v63  }
0xae: {  	s12 =	smin.u32 s12, $0x4A;
	_ =	swait.ge [sflag:s29], $0x4000  }
0xaf: {  	s12 =	sshll.u32 s12, $0x7;
	s14 =	rddreg [dreg:$0x4]  }
0xb0: {  	s12 =	sadd.s32 s12, s14  }
0xb1: {  	[sflag:s29] =	ssyncset.done $0x0;
	s12 =	sshrl.u32 s12, $0x3  }
0xb2: {  	[sflag:s29] =	ssyncadd.s32 $0xFFFFC000;
	s14 =	sadd.s32 s2, s12  }
0xb3: {  	[tilespmem:s25], [sflag:$0x3] =	stream.linear.gather [hbm4b:s14+s4], $0x80, $0x38;
	[tilespmem:$0x18300] =	vst v63  }
0xb4: {  	s12 =	sadd.s32 s6, s12  }
0xb5: {  	[tilespmem:s26], [sflag:$0x3] =	stream.linear.gather [hbm4b:s12+s4], $0x80, $0x38;
	[tilespmem:$0x18300] =	vst v63  }
0xb6: {  	_ = 	snop  }
0xb7: {  	[spmem:s3] =	stream.indirect.scatter.add.f32 [tilespmem:s21], [sflag:$0x5], $0x80, s31, s23, $0xb8;
	[tilespmem:$0x18300] =	vst v63  }
0xb8: {  	_ =	swait.ge [sflag:s22], $0x4000  }
0xb9: {  	[sflag:s22] =	ssyncset.done $0x0  }
0xba: {  	p0 =	sne.s32 s8, $0x4B;
	[sflag:s22] =	ssyncadd.s32 $0xFFFFC000  }
.Ltmp1:
0xbb: {  	_ =	swait.ge [sflag:s28], $0x80;
	(pc) =	sbr.rel @p0 .LBB2_4-.Ltmp1, $4  }
0xbc: {  	[sflag:s28] =	ssyncset.done $0x0  }
0xbd: {  	[sflag:s28] =	ssyncadd.s32 $0xFFFFFF80  }
0xbe: {  	_ =	swait.ge [sflag:s28], $0x80  }
0xbf: {  	s8 =	sadd.s32 $0x3, s8;
	s9 =	sadd.s32 $0x30, s9;
	[sflag:s28] =	ssyncset.done $0x0  }
0xc0: {  	[sflag:s28] =	ssyncadd.s32 $0xFFFFFF80  }
0xc1: {  	[tilespmem:s21], [sflag:$0x1] =	stream.indirect.gather [hbm4b:s5+s23], $0x80, s4, s23, $0xb8;
	[tilespmem:$0x18300] =	vst v63  }
0xc2: {  	_ =	swait.ge [sflag:s29], $0x4000  }
0xc3: {  	[sflag:s29] =	ssyncset.done $0x0  }
0xc4: {  	[sflag:s29] =	ssyncadd.s32 $0xFFFFC000  }
0xc5: {  	[spmem:s3] =	stream.indirect.scatter.add.f32 [tilespmem:s21], [sflag:$0x5], $0x80, s23, s23, $0xb8;
	[tilespmem:$0x18300] =	vst v63  }
0xc6: {  	s8 =	stileid.u32;
	_ =	swait.ge [sflag:s22], $0x4000  }
0xc7: {  	s9 =	sshrl.u32 s7, $0x3;
	s0 =	sadd.s32 $0x1, s0;
	[sflag:s22] =	ssyncset.done $0x0  }
0xc8: {  	s8 =	sshll.u32 s8, $0x6;
	p0 =	sne.s32 s0, s17;
	[sflag:s22] =	ssyncadd.s32 $0xFFFFC000  }
.Ltmp2:
0xc9: {  	s8 =	sor.u32 $0x1C05, s8;
	[bflag:$0x0] =	sbarrier.arrive $0xFFFF;
	(pc) =	sbr.rel @p0 .LBB2_1-.Ltmp2, $4  }
0xca: {  	[hbm:s16], [sflag:s8] =	dma.local [spmem:s9], $0x2800  }
0xcb: {  	_ =	swait.ge [sflag:s22], $0x2800  }
0xcc: {  	[sflag:s22] =	ssyncset.done $0x0  }
0xcd: {  	[sflag:s22] =	ssyncadd.s32 $0xFFFFD800  }
0xce: {  	_ =	sfence.sel $0x180000  }
0xcf: {  	[bflag:$0x0] =	sbarrier.arrive $0xFFFF  }
0xd0: {  	_ =	strace $0x9000004D  }
0xd1: {  	s0 =	stileid.u32;
	[bflag:$0x2] =	sbarrier.arrive $0xFFFF  }
0xd2: {  	p0 =	sne.s32 s0, $0x0;
	s0 =	rddreg [dreg:$0x3]  }
0xd3: {  	s0 =	sadd.s32 @!p0 $0x100000, s0  }
0xd4: {  	[sflag:s0] =	ssyncadd.tile.s32 @!p0 $0x1;
	_ =	shalt  }
.Lfunc_end2:
_tile_overlayer_lowered:
.L_overlay_start_2:
0xd5: {  	(tag) =	ssettag $0x2  }
0xd6: {  	s0 =	rddreg [dreg:$0x0];
	s2 =	stileid.u32  }
0xd7: {  	s1 =	rddreg [dreg:$0x1];
	p0 =	sne.s32 s2, $0x0  }
0xd8: {  	s3 =	rddreg [dreg:$0x2];
	[bflag:$0x3] =	sbarrier.arrive $0xFFFF;
	s2 =	simm.s32 @!p0 $0x1C05  }
0xd9: {  	[timem:s3], [sflag:s2] =	dma.local @!p0 [hbm:s0], s1  }
0xda: {  	s0 =	simm.s32 @!p0 $0x5  }
0xdb: {  	_ =	swait.ge @!p0 [sflag:s0], s1  }
0xdc: {  	s1 =	ssub.s32 @!p0 $0x0, s1;
	[sflag:s0] =	ssyncset.done @!p0 $0x0  }
0xdd: {  	[sflag:s0] =	ssyncadd.s32 @!p0 s1  }
0xde: {  	[bflag:$0x3] =	sbarrier.arrive $0xFFFF  }
0xdf: {  	_ =	shalt  }

// kernel: kernel.9.cloned.1.call-start
scs
__scs_entry_jumppad:
0x0: {  	(pc) =	sbr.rel $0x88, $3  }
0x1: {  	(tag) =	ssettag $0x0;
	lr =	simm.s32 $0x1  }
0x2: {  	[smem:$0x3F99] =	sst lr;
	_ =	strace $0xD0000000  }
0x3: {  	_ = 	snop  }
0x4: {  	_ = 	snop  }
0x5: {  	_ = 	snop  }
0x6: {  	_ = 	snop  }
0x7: {  	_ = 	snop  }
__scs_overlays_trampoline_lowered:
0x8: {  	[smem:$0x3FA8] =	sst s0  }
0x9: {  	[smem:$0x3FA9] =	sst s1  }
0xa: {  	[smem:$0x3FAA] =	sst s2  }
0xb: {  	[smem:$0x3FAB] =	sst s3  }
0xc: {  	[smem:$0x3FAC] =	sst s4  }
0xd: {  	[smem:$0x3FAD] =	sst s5  }
0xe: {  	[smem:$0x3FAE] =	sst s6  }
0xf: {  	[smem:$0x3FAF] =	sst s7  }
0x10: {  	[smem:$0x3FB0] =	sst s8  }
0x11: {  	[smem:$0x3FB1] =	sst s9;
	s0 =	simm.s32 @!p0 $0x0  }
0x12: {  	s1 =	sld [smem:$0x3F97];
	s0 =	simm.s32 @p0 $0x1  }
0x13: {  	[smem:$0x3FB2] =	sst s0;
	s0 =	simm.s32 @!p1 $0x0  }
0x14: {  	s2 =	sld [smem:$0x3F96];
	s0 =	simm.s32 @p1 $0x1  }
0x15: {  	[smem:$0x3FB3] =	sst s0;
	s0 =	simm.s32 @!p2 $0x0  }
0x16: {  	s3 =	sld [smem:$0x3FDB];
	s0 =	simm.s32 @p2 $0x1  }
0x17: {  	s4 =	simm.s32 $0x1BF5;
	[smem:$0x3FB5] =	sst s0  }
0x18: {  	s0 =	sld [smem:$0x3F98];
	_ =	swait.ge [sflag:s4], $0x0  }
0x19: {  	s7 =	sld [smem:$0x3F99]  }
0x1a: {  	s8 =	sadd.s32 $0xFFFFE003, lr  }
0x1b: {  	s9 =	sadd.s32 $0xFFFFFEF7, lr;
	s5 =	simm.s32 $0xFFFFFFFF;
	p2 =	slt.u32 s8, $0xFFFFF086  }
0x1c: {  	p1 =	slt.u32 s9, $0xF7A;
	s5 =	simm.s32 @!p2 $0x0  }
0x1d: {  	s5 =	simm.s32 @p1 $0x1;
	p0 =	seq.s32 s7, s2  }
0x1e: {  	s7 =	smul.u32 @!p0 $0xF7A, s2;
	p2 =	seq.s32 @!p0 s5, $0x0  }
0x1f: {  	s9 =	smul.u32 $0xF7A, s1;
	s8 =	simm.s32 @!p0 $0x1BF5;
	p2 =	por !p2, p0  }
0x20: {  	[sflag:s8] =	ssyncset.s32 @!p0 $0xFFFFF086;
	s6 =	sadd.s32 @!p0 s3, s7;
	s7 =	simm.s32 @!p0 $0x108  }
0x21: {  	s3 =	sadd.s32 s3, s9;
	s6 =	sadd.s32 @!p0 $0x88, s6;
	s7 =	simm.s32 @p2 $0x1082  }
0x22: {  	[simem:s7], [sflag:s8] =	dma.local @!p0 [hbm:s6], $0xF7A  }
0x23: {  	s9 =	sor.u32 $0xD0000000, s2;
	s6 =	simm.s32 $0x108;
	_ =	swait.ge @!p0 [sflag:s8], $0x0  }
0x24: {  	s3 =	sadd.s32 $0x88, s3;
	s6 =	simm.s32 @!p1 $0x1082;
	[sflag:s4] =	ssyncset.s32 $0xFFFFF086  }
0x25: {  	[simem:s6], [sflag:s4] =	dma.local [hbm:s3], $0xF7A  }
0x26: {  	[smem:$0x3F99] =	sst s1;
	(tag) =	ssettag s2;
	_ =	strace s9  }
0x27: {  	s1 =	sld [smem:$0x3FA9]  }
0x28: {  	s2 =	sld [smem:$0x3FAA]  }
0x29: {  	s4 =	sld [smem:$0x3FAC]  }
0x2a: {  	p0 =	seq.s32 s5, $0x0;
	s5 =	sld [smem:$0x3FAD]  }
0x2b: {  	s6 =	sld [smem:$0x3FAE]  }
0x2c: {  	s7 =	sld [smem:$0x3FAF]  }
0x2d: {  	s3 =	simm.s32 $0x108;
	s8 =	sld [smem:$0x3FB0]  }
0x2e: {  	s3 =	simm.s32 @!p0 $0x1082;
	s9 =	sld [smem:$0x3FB1]  }
0x2f: {  	lr =	sadd.s32 s0, s3;
	s0 =	sld [smem:$0x3FA8]  }
0x30: {  	s3 =	sld [smem:$0x3FAB]  }
0x31: {  	[smem:$0x3FB4] =	sst s10  }
0x32: {  	s10 =	sld [smem:$0x3FB2];
	_ =	sdelay $0x3  }
0x33: {  	p0 =	seq.s32 s10, $0x1;
	s10 =	sld [smem:$0x3FB4];
	_ =	sdelay $0x3  }
0x34: {  	[smem:$0x3FB4] =	sst s10  }
0x35: {  	s10 =	sld [smem:$0x3FB3];
	_ =	sdelay $0x3  }
0x36: {  	p1 =	seq.s32 s10, $0x1;
	s10 =	sld [smem:$0x3FB4];
	_ =	sdelay $0x3  }
0x37: {  	[smem:$0x3FB4] =	sst s10  }
0x38: {  	s10 =	sld [smem:$0x3FB5]  }
0x39: {  	_ = 	snop;
	(pc) =	sbr.ind lr, $3  }
0x3a: {  	_ = 	snop  }
0x3b: {  	_ = 	snop  }
0x3c: {  	p2 =	seq.s32 s10, $0x1;
	s10 =	sld [smem:$0x3FB4]  }
0x3d: {  	_ =	shalt  }
0x3e: {  	_ =	shalt  }
0x3f: {  	_ =	shalt  }
0x40: {  	_ =	shalt  }
0x41: {  	_ =	shalt  }
0x42: {  	_ =	shalt  }
0x43: {  	_ =	shalt  }
0x44: {  	_ =	shalt  }
0x45: {  	_ =	shalt  }
0x46: {  	_ =	shalt  }
0x47: {  	_ =	shalt  }
0x48: {  	_ =	shalt  }
0x49: {  	_ =	shalt  }
0x4a: {  	_ =	shalt  }
0x4b: {  	_ =	shalt  }
0x4c: {  	_ =	shalt  }
0x4d: {  	_ =	shalt  }
0x4e: {  	_ =	shalt  }
0x4f: {  	_ =	shalt  }
0x50: {  	_ =	shalt  }
0x51: {  	_ =	shalt  }
0x52: {  	_ =	shalt  }
0x53: {  	_ =	shalt  }
0x54: {  	_ =	shalt  }
0x55: {  	_ =	shalt  }
0x56: {  	_ =	shalt  }
0x57: {  	_ =	shalt  }
0x58: {  	_ =	shalt  }
0x59: {  	_ =	shalt  }
0x5a: {  	_ =	shalt  }
0x5b: {  	_ =	shalt  }
0x5c: {  	_ =	shalt  }
0x5d: {  	_ =	shalt  }
0x5e: {  	_ =	shalt  }
0x5f: {  	_ =	shalt  }
0x60: {  	_ =	shalt  }
0x61: {  	_ =	shalt  }
0x62: {  	_ =	shalt  }
0x63: {  	_ =	shalt  }
0x64: {  	_ =	shalt  }
0x65: {  	_ =	shalt  }
0x66: {  	_ =	shalt  }
0x67: {  	_ =	shalt  }
0x68: {  	_ =	shalt  }
0x69: {  	_ =	shalt  }
0x6a: {  	_ =	shalt  }
0x6b: {  	_ =	shalt  }
0x6c: {  	_ =	shalt  }
0x6d: {  	_ =	shalt  }
0x6e: {  	_ =	shalt  }
0x6f: {  	_ =	shalt  }
0x70: {  	_ =	shalt  }
0x71: {  	_ =	shalt  }
0x72: {  	_ =	shalt  }
0x73: {  	_ =	shalt  }
0x74: {  	_ =	shalt  }
0x75: {  	_ =	shalt  }
0x76: {  	_ =	shalt  }
0x77: {  	_ =	shalt  }
0x78: {  	_ =	shalt  }
0x79: {  	_ =	shalt  }
0x7a: {  	_ =	shalt  }
0x7b: {  	_ =	shalt  }
0x7c: {  	_ =	shalt  }
0x7d: {  	_ =	shalt  }
0x7e: {  	_ =	shalt  }
0x7f: {  	_ =	shalt  }
0x80: {  	_ =	shalt  }
0x81: {  	_ =	shalt  }
0x82: {  	_ =	shalt  }
0x83: {  	_ =	shalt  }
0x84: {  	_ =	shalt  }
0x85: {  	_ =	shalt  }
0x86: {  	_ =	shalt  }
0x87: {  	_ =	shalt  }
.Lfunc_end0:
.L_simem_size_0:
called_computation_lowered:
.L_overlay_start_0:
0x88: {  	s2 =	sld [smem:$0x3FD9]  }
0x89: {  	s3 =	sld [smem:$0x3FFE];
	_ =	sdelay $0x1  }
0x8a: {  	s1 =	srdreg.scid  }
0x8b: {  	s0 =	sand.u32 $0x1, s1  }
0x8c: {  	s16 =	sshll.u32 s0, $0xA;
	s2 =	sadd.s32 s3, s2  }
0x8d: {  	s2 =	sadd.s32 s2, s16  }
0x8e: {  	[smem:$0x3FC0] =	sst s2  }
0x8f: {  	_ = 	snop  }
0x90: {  	(tm) =	ssettm $0x1  }
0x91: {  	s17 =	sld [smem:$0x3FFB];
	_ =	sdelay $0x3  }
0x92: {  	_ =	strace s17  }
0x93: {  	s2 =	sld [smem:$0x3FFC];
	_ =	sdelay $0x3  }
0x94: {  	_ =	strace s2  }
0x95: {  	s2 =	sld [smem:$0x3FFD];
	_ =	sdelay $0x3  }
0x96: {  	_ =	strace s2  }
0x97: {  	_ =	strace $0x8FFFFFFF  }
0x98: {  	s18 =	sld [smem:$0x3FDB];
	_ =	sdelay $0x1  }
0x99: {  	s19 =	simm.s32 $_scs_section_size  }
0x9a: {  	s4 =	simm.s32 $_size__tile_overlayer_lowered;
	s5 =	simm.s32 $_tile_overlayer_lowered  }
0x9b: {  	s22 =	simm.s32 $0x1BFF;
	s21 =	sshll.u32 s5, $0x1;
	s2 =	sadd.s32 s19, s18  }
0x9c: {  	s6 =	simm.s32 $0x0;
	s20 =	sshll.u32 s4, $0x1;
	s4 =	sadd.s32 s21, s2  }
0x9d: {  	[timem:s6], [sflag:s22] =	dma.local [hbm:s4], s20  }
0x9e: {  	_ =	swait.ge [sflag:s22], s20  }
0x9f: {  	s3 =	ssub.s32 $0x0, s20;
	[sflag:s22] =	ssyncset.done $0x0  }
0xa0: {  	[sflag:s22] =	ssyncadd.s32 s3;
	_ =	sdelay $0x1  }
0xa1: {  	s23 =	simm.s32 $0x1B8B  }
0xa2: {  	_ =	swait.ge [sflag:s23], $0x1  }
0xa3: {  	[sflag:s23] =	ssyncset.done $0x0  }
0xa4: {  	s25 =	simm.s32 $0x1B8E;
	s24 =	sld [smem:$0x3FFE];
	[sflag:s23] =	ssyncadd.s32 $0xFFFFFFFF  }
0xa5: {  	s26 =	simm.s32 $execute0_lowered;
	[smem:$0x3FD2] =	sst s25  }
0xa6: {  	s4 =	sshll.u32 s26, $0x1;
	_ =	strace $0x80000046;
	[dreg:$0x1] =	wrdreg $0xFFFFFFFF  }
0xa7: {  	s28 =	simm.s32 $_size_execute0_lowered;
	s2 =	sadd.s32 s2, s4;
	[dreg:$0x0] =	wrdreg $0x0  }
0xa8: {  	s4 =	sshll.u32 s28, $0x1;
	[dreg:$0x2] =	wrdreg s2  }
0xa9: {  	[dreg:$0x3] =	wrdreg s4  }
0xaa: {  	[dreg:$0x4] =	wrdreg $0xC0  }
0xab: {  	_ =	task [dreg:s6], $0x5FFFF  }
0xac: {  	[dreg:$0x1] =	wrdreg $0xFFFFFFFF  }
0xad: {  	[dreg:$0x0] =	wrdreg $0x60  }
0xae: {  	[dreg:$0x2] =	wrdreg s24  }
0xaf: {  	[dreg:$0x3] =	wrdreg $0x77800  }
0xb0: {  	[dreg:$0x4] =	wrdreg $0x9  }
0xb1: {  	_ =	task.clear_ibuf [dreg:s6], $0x5FFFF;
	_ =	strace $0x90000046  }
0xb2: {  	s29 =	simm.s32 $0x9;
	_ =	strace $0x80000048  }
0xb3: {  	_ =	swait.ge [sflag:s29], $0x1  }
0xb4: {  	[sflag:s29] =	ssyncadd.s32 $0xFFFFFFFF  }
0xb5: {  	_ =	strace $0x90000048  }
0xb6: {  	_ =	sfence  }
0xb7: {  	s30 =	sld [smem:$0x0];
	_ =	sdelay $0x2  }
0xb8: {  	s31 =	sshll.u32 s1, $0xD;
	s1 =	sshrl.u32 s1, $0x2  }
0xb9: {  	s3 =	sand.u32 $0x4000, s31;
	s1 =	sadd.s32 s1, s30  }
0xba: {  	s0 =	sor.u32 s3, s0;
	s1 =	sshll.u32 s1, $0x11  }
0xbb: {  	s0 =	sor.u32 s1, s0  }
0xbc: {  	s0 =	sadd.s32 $0x8F2B, s0  }
0xbd: {  	[sflag:s0] =	ssyncadd.remote.s32 $0x1  }
0xbe: {  	_ =	sfence.sel $0xFFFF  }
0xbf: {  	[dreg:$0x0] =	wrdreg $0xFFFFFFFF;
	(pc) =	sbr.abs _section_cstart, $3  }
0xc0: {  	[dreg:$0x1] =	wrdreg $0xFFFFFFFF  }
0xc1: {  	_ =	task.clear_ibuf [dreg:s6], $0x2FFFF;
	_ =	strace $0x9FFFFFFF  }
0xc2: {  	(tm) =	ssettm $0x7FFFFFFF  }
0xc3: {  	_ =	shalt  }
tec
execute0_lowered:
.L_overlay_start_1:
0x0: {  	(tag) =	ssettag $0x1  }
0x1: {  	s4 =	rddreg [dreg:$0x0]  }
0x2: {  	s0 =	srdreg.scid;
	s5 =	rddreg [dreg:$0x1]  }
0x3: {  	s2 =	simm.s32 $0x0;
	s11 =	simm.s32 $0x400;
	s12 =	simm.s32 $0x1400  }
0x4: {  	s13 =	simm.s32 $0x14000;
	s3 =	sand.u32 $0x1, s0;
	s0 =	stileid.u32  }
0x5: {  	s14 =	simm.s32 $0x4F80;
	s15 =	simm.s32 $0x0;
	s7 =	smul.u32 $0x280, s0  }
0x6: {  	[smem:$0x7FF] =	sst s2;
	s1 =	sshll.u32 s3, $0x4;
	s8 =	smul.u32 $0x2800, s3  }
0x7: {  	s3 =	ssub.s32 $0x2, s3;
	s29 =	sshrl.u32 s0, $0x3;
	s30 =	smul.u32 $0x5000, s0  }
0x8: {  	s31 =	sshll.u32 s0, $0x7;
	s1 =	sor.u32 s0, s1;
	s9 =	sshrl.u32 s3, $0x1  }
0x9: {  	s6 =	smul.u32 $0x4F0, s1;
	s1 =	rddreg [dreg:$0x2];
	_ =	strace $0x80000047  }
0xa: {  	s7 =	sadd.s32 s7, s8;
	s8 =	smul.u32 $0x50000, s29;
	s9 =	ssub.s32 s3, s9  }
0xb: {  	s10 =	sshrl.u32 s30, $0x2;
	s7 =	sshrl.u32 s7, $0x3;
	s6 =	sadd.s32 s6, s4  }
0xc: {  	s7 =	sadd.s32 s7, s4;
	s8 =	sshrl.u32 s8, $0x2;
	s3 =	sadd.s32 $0x2C00, s6  }
0xd: {  	s6 =	sand.u32 $0x380, s31;
	s8 =	sadd.s32 s8, s5;
	s5 =	sadd.s32 s10, s5  }
0xe: {  	s10 =	simm.s32 $0x80;
	s4 =	sadd.s32 s6, s8;
	s6 =	sadd.s32 $0xCA00, s7  }
0xf: {  	v0 =	vimm.f32 $0.0e+00;
	v1 =	vimm.f32 $1.000000000e+00;
	s7 =	smax.u32 s9, $0x1;
	s8 =	simm.s32 $0x1;
	s9 =	simm.s32 $0x2780  }
.LBB2_1:
0x10: {  	s16 =	simm.s32 $0x40;
	s17 =	simm.s32 $0x0  }
.LBB2_2:
0x11: {  	p0 =	sne.s32 s16, $0x9FC0;
	[tilespmem:s17+$0x2780] =	vst v0;
	s17 =	smov.u32 s16;
	s16 =	sadd.s32 $0x40, s16  }
.Ltmp0:
0x12: {  	(pc) =	sbr.rel @p0 .LBB2_2-.Ltmp0, $2  }
0x13: {  	_ =	sdelay $0x2  }
0x14: {  	s17 =	sshra.s32 s17, $0x2  }
0x15: {  	[tilespmem:s17+$0x2780] =	vst v0;
	s16 =	simm.s32 $0x0  }
0x16: {  	[tilespmem:s16], [sflag:$0x1] =	stream.linear.gather [hbm4b:s3+s16], $0x2780, $0x38;
	[tilespmem:$0x9F80] =	vst v63  }
0x17: {  	_ =	swait.ge [sflag:s8], $0x2780  }
0x18: {  	[sflag:s8] =	ssyncset.done $0x0  }
0x19: {  	s17 =	simm.s32 $0x0;
	s16 =	simm.s32 $0x40;
	[sflag:s8] =	ssyncadd.s32 $0xFFFFD880  }
.LBB2_4:
0x1a: {  	p0 =	sne.s32 s16, $0x9DC0;
	v2 =	vld [tilespmem:s17+$0x0];
	_ =	sdelay $0x3  }
.Ltmp1:
0x1b: {  	(pc) =	sbr.rel @p0 .LBB2_4-.Ltmp1, $2  }
0x1c: {  	_ =	sdelay $0x2  }
0x1d: {  	s17 =	sshra.s32 s16, $0x2;
	s16 =	sadd.s32 $0x40, s16;
	[tilespmem:v2+s9+$0x0] =	vst.idx.add.f32.msk $0xffff, v1  }
0x1e: {  	v2 =	vld [tilespmem:s17+$0x0];
	_ =	sdelay $0x7  }
0x1f: {  	s16 =	simm.s32 $0x2780;
	[tilespmem:v2+s9+$0x0] =	vst.idx.add.f32.msk $0xffff, v1  }
0x20: {  	[spmem:s4] =	stream.strided.scatter [tilespmem:s16], [sflag:$0x1], $0x2800, s11, s10, $0x38;
	[tilespmem:$0x9F80] =	vst v63  }
0x21: {  	_ =	swait.ge [sflag:s8], $0x2800  }
0x22: {  	[sflag:s8] =	ssyncset.done $0x0  }
0x23: {  	[sflag:s8] =	ssyncadd.s32 $0xFFFFD800  }
0x24: {  	[bflag:$0x0] =	sbarrier.arrive $0xFFFF  }
0x25: {  	[tilespmem:s14], [sflag:$0x1] =	stream.strided.gather [spmem:s5], $0x2800, s13, s12, $0x38;
	[tilespmem:$0x9F80] =	vst v63  }
0x26: {  	s30 =	simm.s32 $0x0;
	_ =	swait.ge [sflag:s8], $0x2800  }
0x27: {  	s18 =	sand.u32 $0x70, s30;
	s17 =	sand.u32 $0x1C00, s30;
	[sflag:s8] =	ssyncset.done $0x0  }
0x28: {  	s17 =	sor.u32 s18, s17;
	[sflag:s8] =	ssyncadd.s32 $0xFFFFD800  }
0x29: {  	v2 =	vld [tilespmem:s17+$0x5000]  }
0x2a: {  	v3 =	vld [tilespmem:s17+$0x4F80];
	_ =	sdelay $0x1  }
0x2b: {  	v4 =	vld [tilespmem:s17+$0x5080];
	_ =	sdelay $0x1  }
0x2c: {  	v5 =	vld [tilespmem:s17+$0x5100]  }
0x2d: {  	v2 =	vadd.f32 v2, v3  }
0x2e: {  	v3 =	vld [tilespmem:s17+$0x5180]  }
0x2f: {  	v2 =	vadd.f32 v4, v2  }
0x30: {  	v56 =	vld [tilespmem:s17+$0x5200]  }
0x31: {  	v2 =	vadd.f32 v5, v2  }
0x32: {  	v57 =	vld [tilespmem:s17+$0x5280]  }
0x33: {  	v2 =	vadd.f32 v3, v2  }
0x34: {  	v3 =	vld [tilespmem:s17+$0x5300]  }
0x35: {  	v2 =	vadd.f32 v56, v2  }
0x36: {  	v58 =	vld [tilespmem:s17+$0x6380]  }
0x37: {  	v2 =	vadd.f32 v57, v2  }
0x38: {  	v59 =	vld [tilespmem:s17+$0x6400]  }
0x39: {  	v2 =	vadd.f32 v3, v2  }
0x3a: {  	v3 =	vld [tilespmem:s17+$0x6480]  }
0x3b: {  	v2 =	vadd.f32 v58, v2  }
0x3c: {  	v60 =	vld [tilespmem:s17+$0x6500]  }
0x3d: {  	v2 =	vadd.f32 v59, v2  }
0x3e: {  	v61 =	vld [tilespmem:s17+$0x6580]  }
0x3f: {  	v2 =	vadd.f32 v3, v2  }
0x40: {  	v3 =	vld [tilespmem:s17+$0x6600]  }
0x41: {  	v2 =	vadd.f32 v60, v2  }
0x42: {  	v62 =	vld [tilespmem:s17+$0x6680]  }
0x43: {  	v2 =	vadd.f32 v61, v2  }
0x44: {  	v63 =	vld [tilespmem:s17+$0x6700]  }
0x45: {  	v2 =	vadd.f32 v3, v2;
	_ =	sdelay $0x1  }
0x46: {  	v2 =	vadd.f32 v62, v2;
	_ =	sdelay $0x1  }
0x47: {  	s31 =	simm.s32 $0x10;
	s18 =	simm.s32 $0x80;
	v2 =	vadd.f32 v63, v2  }
0x48: {  	s19 =	sand.u32 $0x1C00, s18;
	s17 =	sand.u32 $0x70, s31  }
0x49: {  	s17 =	sor.u32 s17, s19;
	s19 =	simm.s32 $0x20;
	[tilespmem:s16+$0x0] =	vst v2  }
.LBB2_6:
0x4a: {  	p0 =	sne.s32 s19, $0x270;
	v2 =	vld [tilespmem:s17+$0x5000]  }
0x4b: {  	v3 =	vld [tilespmem:s17+$0x4F80];
	_ =	sdelay $0x1  }
0x4c: {  	v4 =	vld [tilespmem:s17+$0x5080];
	_ =	sdelay $0x1  }
0x4d: {  	v5 =	vld [tilespmem:s17+$0x5100]  }
0x4e: {  	v2 =	vadd.f32 v2, v3  }
0x4f: {  	v3 =	vld [tilespmem:s17+$0x5180]  }
0x50: {  	v2 =	vadd.f32 v4, v2  }
0x51: {  	v4 =	vld [tilespmem:s17+$0x5200]  }
0x52: {  	v2 =	vadd.f32 v5, v2  }
0x53: {  	v5 =	vld [tilespmem:s17+$0x5280]  }
0x54: {  	v2 =	vadd.f32 v3, v2  }
0x55: {  	v3 =	vld [tilespmem:s17+$0x5300]  }
0x56: {  	v2 =	vadd.f32 v4, v2  }
0x57: {  	v4 =	vld [tilespmem:s17+$0x6380]  }
0x58: {  	v2 =	vadd.f32 v5, v2  }
0x59: {  	v5 =	vld [tilespmem:s17+$0x6400]  }
0x5a: {  	v2 =	vadd.f32 v3, v2  }
0x5b: {  	v3 =	vld [tilespmem:s17+$0x6480]  }
0x5c: {  	v2 =	vadd.f32 v4, v2  }
0x5d: {  	v4 =	vld [tilespmem:s17+$0x6500]  }
0x5e: {  	v2 =	vadd.f32 v5, v2  }
0x5f: {  	v5 =	vld [tilespmem:s17+$0x6580]  }
0x60: {  	v2 =	vadd.f32 v3, v2  }
0x61: {  	v3 =	vld [tilespmem:s17+$0x6600]  }
0x62: {  	v2 =	vadd.f32 v4, v2  }
0x63: {  	v4 =	vld [tilespmem:s17+$0x6680]  }
0x64: {  	v2 =	vadd.f32 v5, v2  }
0x65: {  	v5 =	vld [tilespmem:s17+$0x6700]  }
0x66: {  	v2 =	vadd.f32 v3, v2;
	_ =	sdelay $0x1  }
.Ltmp2:
0x67: {  	v2 =	vadd.f32 v4, v2;
	(pc) =	sbr.rel @p0 .LBB2_6-.Ltmp2, $4  }
0x68: {  	_ = 	snop  }
0x69: {  	s18 =	sadd.s32 $0x80, s18;
	v2 =	vadd.f32 v5, v2  }
0x6a: {  	s16 =	sadd.s32 $0x10, s16;
	s20 =	sand.u32 $0x1C00, s18;
	s17 =	sand.u32 $0x70, s19  }
0x6b: {  	s19 =	sadd.s32 $0x10, s19;
	s17 =	sor.u32 s17, s20;
	[tilespmem:s16+$0x0] =	vst v2  }
0x6c: {  	v2 =	vld [tilespmem:s17+$0x5000]  }
0x6d: {  	v3 =	vld [tilespmem:s17+$0x4F80];
	_ =	sdelay $0x1  }
0x6e: {  	v4 =	vld [tilespmem:s17+$0x5080];
	_ =	sdelay $0x1  }
0x6f: {  	v5 =	vld [tilespmem:s17+$0x5100]  }
0x70: {  	v2 =	vadd.f32 v2, v3  }
0x71: {  	v3 =	vld [tilespmem:s17+$0x5180]  }
0x72: {  	v2 =	vadd.f32 v4, v2  }
0x73: {  	v56 =	vld [tilespmem:s17+$0x5200]  }
0x74: {  	v2 =	vadd.f32 v5, v2  }
0x75: {  	v57 =	vld [tilespmem:s17+$0x5280]  }
0x76: {  	v2 =	vadd.f32 v3, v2  }
0x77: {  	v3 =	vld [tilespmem:s17+$0x5300]  }
0x78: {  	v2 =	vadd.f32 v56, v2  }
0x79: {  	v58 =	vld [tilespmem:s17+$0x6380]  }
0x7a: {  	v2 =	vadd.f32 v57, v2  }
0x7b: {  	v59 =	vld [tilespmem:s17+$0x6400]  }
0x7c: {  	v2 =	vadd.f32 v3, v2  }
0x7d: {  	v3 =	vld [tilespmem:s17+$0x6480]  }
0x7e: {  	v2 =	vadd.f32 v58, v2  }
0x7f: {  	v60 =	vld [tilespmem:s17+$0x6500]  }
0x80: {  	v2 =	vadd.f32 v59, v2  }
0x81: {  	v61 =	vld [tilespmem:s17+$0x6580]  }
0x82: {  	v2 =	vadd.f32 v3, v2  }
0x83: {  	v3 =	vld [tilespmem:s17+$0x6600]  }
0x84: {  	v2 =	vadd.f32 v60, v2  }
0x85: {  	v62 =	vld [tilespmem:s17+$0x6680]  }
0x86: {  	v2 =	vadd.f32 v61, v2  }
0x87: {  	v63 =	vld [tilespmem:s17+$0x6700]  }
0x88: {  	v2 =	vadd.f32 v3, v2;
	_ =	sdelay $0x1  }
0x89: {  	v2 =	vadd.f32 v62, v2;
	_ =	sdelay $0x1  }
0x8a: {  	s15 =	sadd.s32 $0x1, s15;
	v2 =	vadd.f32 v63, v2  }
0x8b: {  	s16 =	sadd.s32 $0x10, s16;
	p0 =	sne.s32 s15, s7  }
.Ltmp3:
0x8c: {  	[tilespmem:s16+$0x0] =	vst v2;
	(pc) =	sbr.rel @p0 .LBB2_1-.Ltmp3, $4  }
0x8d: {  	[hbm4b:s6+s2] =	stream.linear.scatter [tilespmem:s9], [sflag:$0x1], $0x280, $0x38;
	[tilespmem:$0x9F80] =	vst v63  }
0x8e: {  	_ =	swait.ge [sflag:s8], $0x280  }
0x8f: {  	[sflag:s8] =	ssyncset.done $0x0  }
0x90: {  	[sflag:s8] =	ssyncadd.s32 $0xFFFFFD80  }
0x91: {  	_ =	sfence.sel $0x180000  }
0x92: {  	[bflag:$0x0] =	sbarrier.arrive $0xFFFF  }
0x93: {  	p0 =	sne.s32 s0, $0x0;
	_ =	strace $0x90000047  }
0x94: {  	s0 =	sadd.s32 @!p0 $0x100000, s1;
	[bflag:$0x2] =	sbarrier.arrive $0xFFFF  }
0x95: {  	[sflag:s0] =	ssyncadd.tile.s32 @!p0 $0x1;
	_ =	shalt  }
.Lfunc_end2:
_tile_overlayer_lowered:
.L_overlay_start_2:
0x96: {  	(tag) =	ssettag $0x2  }
0x97: {  	s0 =	rddreg [dreg:$0x0];
	s2 =	stileid.u32  }
0x98: {  	s1 =	rddreg [dreg:$0x1];
	p0 =	sne.s32 s2, $0x0  }
0x99: {  	s3 =	rddreg [dreg:$0x2];
	[bflag:$0x3] =	sbarrier.arrive $0xFFFF;
	s2 =	simm.s32 @!p0 $0x1C01  }
0x9a: {  	[timem:s3], [sflag:s2] =	dma.local @!p0 [hbm:s0], s1  }
0x9b: {  	s0 =	simm.s32 @!p0 $0x1  }
0x9c: {  	_ =	swait.ge @!p0 [sflag:s0], s1  }
0x9d: {  	s1 =	ssub.s32 @!p0 $0x0, s1;
	[sflag:s0] =	ssyncset.done @!p0 $0x0  }
0x9e: {  	[sflag:s0] =	ssyncadd.s32 @!p0 s1  }
0x9f: {  	[bflag:$0x3] =	sbarrier.arrive $0xFFFF  }
0xa0: {  	_ =	shalt  }

</sc_bundles>
